<compile_context>
chip_gen: v7x
topology: tpu7x:2x2x1
jax: 0.10.2.dev20260603
libtpu: 0.0.44.dev20260713+nightly
codegen_flags: <defaults>
</compile_context>

<pallas_src>
import functools

import jax
import jax.numpy as jnp
from jax import lax
from jax.experimental import pallas as pl
from jax.experimental.pallas import tpu as pltpu
from jax.experimental.pallas import tpu_sc as plsc

_NC = 2
_NS = 16
_NW = _NC * _NS
_LANES = 128


def _sc_coeff_kernel(rows0, rows1, c_size, n_c):
    c_slice = c_size // _NS

    mesh = plsc.VectorSubcoreMesh(core_axis_name="c", subcore_axis_name="s")

    @functools.partial(
        pl.kernel,
        mesh=mesh,
        out_type=jax.ShapeDtypeStruct((_NC * c_size,), jnp.float32),
        scratch_types=[
            pltpu.VMEM((rows0, _LANES), jnp.int32),
            pltpu.VMEM((rows0, _LANES), jnp.int32),
            pltpu.VMEM((rows0, _LANES), jnp.float32),
            pltpu.VMEM((c_size // _NS,), jnp.float32),
            pltpu.VMEM_SHARED((c_size,), jnp.float32),
            pltpu.SemaphoreType.DMA,
        ],
    )
    def sc_kernel(ei_hbm, typ_hbm, norm_hbm, out_hbm,
                  src_v, idx_v, upd_v, zbuf_v, acc_sh, sem):
        cid = lax.axis_index("c")
        sid = lax.axis_index("s")

        base = jnp.where(cid == 0, sid * rows0, _NS * rows0 + sid * rows1)
        zbase = sid * c_slice
        d_src = pltpu.async_copy(ei_hbm.at[0, pl.ds(base, rows0)], src_v, sem)
        d_typ = pltpu.async_copy(typ_hbm.at[pl.ds(base, rows0)], idx_v, sem)
        d_nrm = pltpu.async_copy(norm_hbm.at[pl.ds(base, rows0)], upd_v, sem)

        def _zrow(i, carry):
            zbuf_v[pl.ds(i * 16, 16)] = jnp.zeros((16,), jnp.float32)
            return carry

        lax.fori_loop(0, c_slice // 16, _zrow, 0)
        d_zero = pltpu.async_copy(zbuf_v, acc_sh.at[pl.ds(zbase, c_slice)], sem)
        d_src.wait()
        d_typ.wait()

        def _row(i, carry):
            for j in range(_LANES // 16):
                sl = pl.ds(j * 16, 16)
                idx_v[i, sl] = idx_v[i, sl] * n_c + src_v[i, sl]
            return carry

        lax.fori_loop(0, rows0, _row, 0)
        d_nrm.wait()

        @pl.when(cid == 1)
        def _mask_tail():
            for i in range(rows1, rows0):
                for j in range(_LANES // 16):
                    upd_v[i, pl.ds(j * 16, 16)] = jnp.zeros((16,), jnp.float32)

        d_zero.wait()

        plsc.subcore_barrier()

        def _fire(i, carry):
            pltpu.async_copy(upd_v.at[i], acc_sh.at[idx_v.at[i]], sem,
                             add=True)
            return carry

        lax.fori_loop(0, rows0, _fire, 0)

        def _drain(i, carry):
            pltpu.make_async_copy(upd_v.at[i], acc_sh.at[idx_v.at[i]],
                                  sem).wait()
            return carry

        lax.fori_loop(0, rows0, _drain, 0)
        plsc.subcore_barrier()

        pltpu.sync_copy(acc_sh.at[pl.ds(zbase, c_slice)],
                        out_hbm.at[pl.ds(cid * c_size + zbase, c_slice)])

    return sc_kernel


def _tc_root_body(x_ref, w_ref, o_ref):
    o_ref[...] = jnp.dot(x_ref[...], w_ref[...],
                         preferred_element_type=jnp.float32
                         ).astype(jnp.bfloat16)


def _tc_body(x_ref, w_ref, root_ref, *refs):
    c_refs, o_ref = refs[:-1], refs[-1]
    nrel = w_ref.shape[0]
    xb = x_ref[...]
    parts = [root_ref[...].astype(jnp.float32)]
    for r in range(nrel):
        c = c_refs[r][...] + c_refs[nrel + r][...]
        cb = c.astype(jnp.bfloat16)
        parts.append(jnp.dot(xb * cb[:, None], w_ref[r],
                             preferred_element_type=jnp.float32))
    while len(parts) > 1:
        parts = [a + b for a, b in zip(parts[::2], parts[1::2])] + (
            [parts[-1]] if len(parts) % 2 else [])
    o_ref[...] = parts[0]


def kernel(x, edge_index, edge_type, edge_norm, dim, W, root):
    n, d = x.shape
    r = W.shape[0]
    o = root.shape[1]
    e = edge_type.shape[0]

    blk = 2048
    grid = -(-n // blk)
    rows_w = -(-e // (_NW * _LANES))
    rows0 = rows1 = rows_w
    n_rows = _NS * (rows0 + rows1) + max(rows0 - rows1, 0)
    e_pad = n_rows * _LANES
    n_c = -(-n // 256) * 256
    c_size = r * n_c

    ei_p = jnp.pad(edge_index, ((0, 0), (0, e_pad - e)))
    ei_p = ei_p.reshape(2, n_rows, _LANES)
    typ_p = jnp.pad(edge_type, (0, e_pad - e)).reshape(n_rows, _LANES)
    norm_p = jnp.pad(edge_norm, (0, e_pad - e)).reshape(n_rows, _LANES)

    c_flat = _sc_coeff_kernel(rows0, rows1, c_size, n_c)(ei_p, typ_p, norm_p)

    w_b = W.astype(jnp.bfloat16)
    root_b = root.astype(jnp.bfloat16)
    x_b = x.astype(jnp.bfloat16)

    out_root = pl.pallas_call(
        _tc_root_body,
        grid=(grid,),
        in_specs=[
            pl.BlockSpec((blk, d), lambda i: (i, 0)),
            pl.BlockSpec((d, o), lambda i: (0, 0)),
        ],
        out_specs=pl.BlockSpec((blk, o), lambda i: (i, 0)),
        out_shape=jax.ShapeDtypeStruct((n, o), jnp.bfloat16),
    )(x_b, root_b)

    npb = n_c // blk
    c_specs = [
        pl.BlockSpec((blk,), functools.partial(
            lambda p_, r_, i: (p_ * r * npb + r_ * npb + i,), p_, r_))
        for p_ in range(_NC) for r_ in range(r)
    ]

    out = pl.pallas_call(
        _tc_body,
        grid=(grid,),
        in_specs=[
            pl.BlockSpec((blk, d), lambda i: (i, 0)),
            pl.BlockSpec((r, d, o), lambda i: (0, 0, 0)),
            pl.BlockSpec((blk, o), lambda i: (i, 0)),
        ] + c_specs,
        out_specs=pl.BlockSpec((blk, o), lambda i: (i, 0)),
        out_shape=jax.ShapeDtypeStruct((n, o), jnp.float32),
    )(x_b, w_b, out_root, *([c_flat] * (_NC * r)))
    return out

# --- scband reference (transcript-rebuilt; emitter-appended) ---
"""Pipeline reference for scband-rgcnconv-22239340658867 (READ-ONLY COPY).

The authoritative reference and input builder live on the scoring server;
editing this copy changes nothing except your own understanding.
"""

import jax, jax.numpy as jnp
import numpy as np


def setup_inputs(seed: int = 0) -> dict:
    key = jax.random.key(seed)
    ks = jax.random.split(key, 6)
    N, E, D, O, R = 10000, 160000, 128, 128, 8
    x = jax.random.normal(ks[0], (N, D), dtype=jnp.float32)
    edge_index = jax.random.randint(ks[1], (2, E), 0, N, dtype=jnp.int32)
    edge_type = jax.random.randint(ks[2], (E,), 0, R, dtype=jnp.int32)
    edge_norm = jax.random.uniform(ks[3], (E,), dtype=jnp.float32)
    stdv = 1.0 / np.sqrt(D)
    W = jax.random.uniform(ks[4], (R, D, O), dtype=jnp.float32, minval=-stdv, maxval=stdv)
    root = jax.random.uniform(ks[5], (D, O), dtype=jnp.float32, minval=-stdv, maxval=stdv)
    return {"x": x, "edge_index": edge_index, "edge_type": edge_type,
            "edge_norm": edge_norm, "dim": N, "W": W, "root": root}


def reference(x, edge_index, edge_type, edge_norm, dim, W, root):
    # RGCNConv.forward:
    #   x_j = x[edge_index[0]]
    #   out[e] = x_j[e] @ W[edge_type[e]]   (per-edge bmm)
    # Mathematically identical formulation that avoids materializing
    # the [E, D, O] gathered weight tensor:
    #   xw[r, n] = x[n] @ W[r];  out[e] = xw[edge_type[e], src[e]]
    src = edge_index[0] + jnp.asarray(dim - dim, dtype=edge_index.dtype)
    xw = jnp.einsum('nd,rdo->rno', x, W)
    msg = xw[edge_type, src]
    # num_edges > 100000 -> torch branch runs under torch.no_grad()
    msg = jax.lax.stop_gradient(msg)
    out = msg * edge_norm[:, None]
    # scatter-add over edge_index[0] (module scatters by source index), dim_size=dim
    out = jax.ops.segment_sum(out, src, num_segments=x.shape[0])
    # root transform added (bias is created in __init__ but never used in forward)
    out = out + x @ root
    return out

if __name__ == "__main__":
    import jax
    _d = setup_inputs()
    print(jax.jit(kernel)(*tuple(_d.values())))

</pallas_src>

<mosaic_0001>
#map = affine_map<(d0, d1) -> (0, 0, 0)>
#map1 = affine_map<(d0, d1) -> (0, 0)>
#map2 = affine_map<(d0, d1) -> (0)>
module attributes {stable_mosaic.version = 14 : i64} {
  func.func @sc_kernel(%arg0: i32, %arg1: i32, %arg2: memref<2x1280x128xi32, #tpu.memory_space<hbm>>, %arg3: memref<1280x128xi32, #tpu.memory_space<hbm>>, %arg4: memref<1280x128xf32, #tpu.memory_space<hbm>>, %arg5: memref<163840xf32, #tpu.memory_space<hbm>>, %arg6: memref<40x128xi32, #tpu.memory_space<vmem>>, %arg7: memref<40x128xi32, #tpu.memory_space<vmem>>, %arg8: memref<40x128xf32, #tpu.memory_space<vmem>>, %arg9: memref<5120xf32, #tpu.memory_space<vmem>>, %arg10: memref<81920xf32, #tpu.memory_space<vmem_shared>>, %arg11: memref<!tpu.dma_semaphore, #tpu.memory_space<semaphore_mem>>) attributes {dimension_semantics = [#tpu.dimension_semantics<core_parallel>, #tpu.dimension_semantics<subcore_parallel>], iteration_bounds = array<i64: 2, 16>, scalar_prefetch = 0 : i64, scratch_operands = 6 : i64, tpu.core_type = #tpu.core_type<sc_vector_subcore>, window_params = [{transform_indices = #map}, {transform_indices = #map1}, {transform_indices = #map1}, {transform_indices = #map2}]} {
    %eq3A = arith.constant 0 : i32
    %eq3A_0 = arith.cmpi eq, %arg0, %eq3A : i32
    %mul3A = arith.constant 40 : i32
    %mul3A_1 = arith.muli %arg1, %mul3A : i32
    %mul3A_2 = arith.constant 40 : i32
    %mul3A_3 = arith.muli %arg1, %mul3A_2 : i32
    %add3A = arith.constant 640 : i32
    %add3A_4 = arith.addi %add3A, %mul3A_3 : i32
    %select_n3A = arith.select %eq3A_0, %mul3A_1, %add3A_4 : i32
    %mul3A_5 = arith.constant 5120 : i32
    %mul3A_6 = arith.muli %arg1, %mul3A_5 : i32
    %dma_start3A = arith.constant 0 : i32
    %dma_start3A_7 = arith.constant 0 : i32
    %dma_start3A_8 = tpu.memref_slice %arg2[%dma_start3A, %select_n3A, %dma_start3A_7] : memref<2x1280x128xi32, #tpu.memory_space<hbm>> -> memref<1x40x128xi32, #tpu.memory_space<hbm>>
    %dma_start3A_9 = tpu.memref_squeeze %dma_start3A_8 : memref<1x40x128xi32, #tpu.memory_space<hbm>> -> memref<40x128xi32, #tpu.memory_space<hbm>>
    %dma_start3A_10 = arith.constant 0 : i32
    %dma_start3A_11 = tpu.memref_slice %arg2[%dma_start3A, %select_n3A, %dma_start3A_10] : memref<2x1280x128xi32, #tpu.memory_space<hbm>> -> memref<1x40x128xi32, #tpu.memory_space<hbm>>
    %dma_start3A_12 = tpu.memref_squeeze %dma_start3A_11 : memref<1x40x128xi32, #tpu.memory_space<hbm>> -> memref<40x128xi32, #tpu.memory_space<hbm>>
    tpu.enqueue_dma source(%dma_start3A_12 : memref<40x128xi32, #tpu.memory_space<hbm>>) target(%arg6 : memref<40x128xi32, #tpu.memory_space<vmem>>) target_semaphore(%arg11 : memref<!tpu.dma_semaphore, #tpu.memory_space<semaphore_mem>>)
    %dma_start3A_13 = arith.constant 0 : i32
    %dma_start3A_14 = tpu.memref_slice %arg3[%select_n3A, %dma_start3A_13] : memref<1280x128xi32, #tpu.memory_space<hbm>> -> memref<40x128xi32, #tpu.memory_space<hbm>>
    %dma_start3A_15 = arith.constant 0 : i32
    %dma_start3A_16 = tpu.memref_slice %arg3[%select_n3A, %dma_start3A_15] : memref<1280x128xi32, #tpu.memory_space<hbm>> -> memref<40x128xi32, #tpu.memory_space<hbm>>
    tpu.enqueue_dma source(%dma_start3A_16 : memref<40x128xi32, #tpu.memory_space<hbm>>) target(%arg7 : memref<40x128xi32, #tpu.memory_space<vmem>>) target_semaphore(%arg11 : memref<!tpu.dma_semaphore, #tpu.memory_space<semaphore_mem>>)
    %dma_start3A_17 = arith.constant 0 : i32
    %dma_start3A_18 = tpu.memref_slice %arg4[%select_n3A, %dma_start3A_17] : memref<1280x128xf32, #tpu.memory_space<hbm>> -> memref<40x128xf32, #tpu.memory_space<hbm>>
    %dma_start3A_19 = arith.constant 0 : i32
    %dma_start3A_20 = tpu.memref_slice %arg4[%select_n3A, %dma_start3A_19] : memref<1280x128xf32, #tpu.memory_space<hbm>> -> memref<40x128xf32, #tpu.memory_space<hbm>>
    tpu.enqueue_dma source(%dma_start3A_20 : memref<40x128xf32, #tpu.memory_space<hbm>>) target(%arg8 : memref<40x128xf32, #tpu.memory_space<vmem>>) target_semaphore(%arg11 : memref<!tpu.dma_semaphore, #tpu.memory_space<semaphore_mem>>)
    %scan3A = arith.constant 0 : i32
    %scan3A_21 = arith.constant 0 : i32
    %scan3A_22 = arith.constant 320 : i32
    %scan3A_23 = arith.addi %scan3A_21, %scan3A_22 : i32
    %scan3A_24 = arith.constant 1 : i32
    scf.for %scan3A_69 = %scan3A_21 to %scan3A_23 step %scan3A_24  : i32 {
      %broadcast_in_dim3A = arith.constant 0.000000e+00 : f32
      %broadcast_in_dim3A_70 = vector.broadcast %broadcast_in_dim3A : f32 to vector<16xf32>
      %mul3A_71 = arith.constant 16 : i32
      %mul3A_72 = arith.muli %scan3A_69, %mul3A_71 : i32
      %swap3A = arith.index_cast %mul3A_72 : i32 to index
      %swap3A_73 = tpu.vector_load %arg9[%swap3A] {strides = array<i32>} : memref<5120xf32, #tpu.memory_space<vmem>>, vector<16xf32>,
      %swap3A_74 = vector.shape_cast %swap3A_73 : vector<16xf32> to vector<16xf32>
      %swap3A_75 = vector.shape_cast %broadcast_in_dim3A_70 : vector<16xf32> to vector<16xf32>
      tpu.vector_store %arg9[%swap3A], %swap3A_75 {strides = array<i32>} : memref<5120xf32, #tpu.memory_space<vmem>>, vector<16xf32>,
    }
    %scan3A_25 = arith.constant 320 : i32
    %dma_start3A_26 = tpu.memref_slice %arg10[%mul3A_6] : memref<81920xf32, #tpu.memory_space<vmem_shared>> -> memref<5120xf32, #tpu.memory_space<vmem_shared>>
    %dma_start3A_27 = tpu.memref_slice %arg10[%mul3A_6] : memref<81920xf32, #tpu.memory_space<vmem_shared>> -> memref<5120xf32, #tpu.memory_space<vmem_shared>>
    tpu.enqueue_dma source(%arg9 : memref<5120xf32, #tpu.memory_space<vmem>>) target(%dma_start3A_27 : memref<5120xf32, #tpu.memory_space<vmem_shared>>) target_semaphore(%arg11 : memref<!tpu.dma_semaphore, #tpu.memory_space<semaphore_mem>>)
    %dma_wait3A = arith.constant 0 : i32
    %dma_wait3A_28 = arith.constant 0 : i32
    %dma_wait3A_29 = tpu.memref_slice %arg2[%dma_wait3A, %select_n3A, %dma_wait3A_28] : memref<2x1280x128xi32, #tpu.memory_space<hbm>> -> memref<1x40x128xi32, #tpu.memory_space<hbm>>
    %dma_wait3A_30 = tpu.memref_squeeze %dma_wait3A_29 : memref<1x40x128xi32, #tpu.memory_space<hbm>> -> memref<40x128xi32, #tpu.memory_space<hbm>>
    %dma_wait3A_31 = arith.constant 0 : i32
    %dma_wait3A_32 = tpu.memref_slice %arg2[%dma_wait3A, %select_n3A, %dma_wait3A_31] : memref<2x1280x128xi32, #tpu.memory_space<hbm>> -> memref<1x40x128xi32, #tpu.memory_space<hbm>>
    %dma_wait3A_33 = tpu.memref_squeeze %dma_wait3A_32 : memref<1x40x128xi32, #tpu.memory_space<hbm>> -> memref<40x128xi32, #tpu.memory_space<hbm>>
    tpu.wait_dma2 semaphore(%arg11 : memref<!tpu.dma_semaphore, #tpu.memory_space<semaphore_mem>>) src(%dma_wait3A_33 : memref<40x128xi32, #tpu.memory_space<hbm>>) dst(%arg6 : memref<40x128xi32, #tpu.memory_space<vmem>>)
    %dma_wait3A_34 = arith.constant 0 : i32
    %dma_wait3A_35 = tpu.memref_slice %arg3[%select_n3A, %dma_wait3A_34] : memref<1280x128xi32, #tpu.memory_space<hbm>> -> memref<40x128xi32, #tpu.memory_space<hbm>>
    %dma_wait3A_36 = arith.constant 0 : i32
    %dma_wait3A_37 = tpu.memref_slice %arg3[%select_n3A, %dma_wait3A_36] : memref<1280x128xi32, #tpu.memory_space<hbm>> -> memref<40x128xi32, #tpu.memory_space<hbm>>
    tpu.wait_dma2 semaphore(%arg11 : memref<!tpu.dma_semaphore, #tpu.memory_space<semaphore_mem>>) src(%dma_wait3A_37 : memref<40x128xi32, #tpu.memory_space<hbm>>) dst(%arg7 : memref<40x128xi32, #tpu.memory_space<vmem>>)
    %scan3A_38 = arith.constant 0 : i32
    %scan3A_39 = arith.constant 0 : i32
    %scan3A_40 = arith.constant 40 : i32
    %scan3A_41 = arith.addi %scan3A_39, %scan3A_40 : i32
    %scan3A_42 = arith.constant 1 : i32
    scf.for %scan3A_69 = %scan3A_39 to %scan3A_41 step %scan3A_42  : i32 {
      %get3A = arith.index_cast %scan3A_69 : i32 to index
      %get3A_70 = arith.constant 0 : index
      %get3A_71 = tpu.vector_load %arg7[%get3A, %get3A_70] {strides = array<i32>} : memref<40x128xi32, #tpu.memory_space<vmem>>, vector<1x16xi32>,
      %get3A_72 = vector.shape_cast %get3A_71 : vector<1x16xi32> to vector<16xi32>
      %mul3A_73 = arith.constant 10240 : i32
      %mul3A_74 = vector.broadcast %mul3A_73 : i32 to vector<16xi32>
      %mul3A_75 = arith.muli %get3A_72, %mul3A_74 : vector<16xi32>
      %get3A_76 = arith.index_cast %scan3A_69 : i32 to index
      %get3A_77 = arith.constant 0 : index
      %get3A_78 = tpu.vector_load %arg6[%get3A_76, %get3A_77] {strides = array<i32>} : memref<40x128xi32, #tpu.memory_space<vmem>>, vector<1x16xi32>,
      %get3A_79 = vector.shape_cast %get3A_78 : vector<1x16xi32> to vector<16xi32>
      %add3A_80 = arith.addi %mul3A_75, %get3A_79 : vector<16xi32>
      %swap3A = arith.index_cast %scan3A_69 : i32 to index
      %swap3A_81 = arith.constant 0 : index
      %swap3A_82 = tpu.vector_load %arg7[%swap3A, %swap3A_81] {strides = array<i32>} : memref<40x128xi32, #tpu.memory_space<vmem>>, vector<1x16xi32>,
      %swap3A_83 = vector.shape_cast %swap3A_82 : vector<1x16xi32> to vector<16xi32>
      %swap3A_84 = vector.shape_cast %add3A_80 : vector<16xi32> to vector<1x16xi32>
      tpu.vector_store %arg7[%swap3A, %swap3A_81], %swap3A_84 {strides = array<i32>} : memref<40x128xi32, #tpu.memory_space<vmem>>, vector<1x16xi32>,
      %get3A_85 = arith.index_cast %scan3A_69 : i32 to index
      %get3A_86 = arith.constant 16 : index
      %get3A_87 = tpu.vector_load %arg7[%get3A_85, %get3A_86] {strides = array<i32>} : memref<40x128xi32, #tpu.memory_space<vmem>>, vector<1x16xi32>,
      %get3A_88 = vector.shape_cast %get3A_87 : vector<1x16xi32> to vector<16xi32>
      %mul3A_89 = arith.constant 10240 : i32
      %mul3A_90 = vector.broadcast %mul3A_89 : i32 to vector<16xi32>
      %mul3A_91 = arith.muli %get3A_88, %mul3A_90 : vector<16xi32>
      %get3A_92 = arith.index_cast %scan3A_69 : i32 to index
      %get3A_93 = arith.constant 16 : index
      %get3A_94 = tpu.vector_load %arg6[%get3A_92, %get3A_93] {strides = array<i32>} : memref<40x128xi32, #tpu.memory_space<vmem>>, vector<1x16xi32>,
      %get3A_95 = vector.shape_cast %get3A_94 : vector<1x16xi32> to vector<16xi32>
      %add3A_96 = arith.addi %mul3A_91, %get3A_95 : vector<16xi32>
      %swap3A_97 = arith.index_cast %scan3A_69 : i32 to index
      %swap3A_98 = arith.constant 16 : index
      %swap3A_99 = tpu.vector_load %arg7[%swap3A_97, %swap3A_98] {strides = array<i32>} : memref<40x128xi32, #tpu.memory_space<vmem>>, vector<1x16xi32>,
      %swap3A_100 = vector.shape_cast %swap3A_99 : vector<1x16xi32> to vector<16xi32>
      %swap3A_101 = vector.shape_cast %add3A_96 : vector<16xi32> to vector<1x16xi32>
      tpu.vector_store %arg7[%swap3A_97, %swap3A_98], %swap3A_101 {strides = array<i32>} : memref<40x128xi32, #tpu.memory_space<vmem>>, vector<1x16xi32>,
      %get3A_102 = arith.index_cast %scan3A_69 : i32 to index
      %get3A_103 = arith.constant 32 : index
      %get3A_104 = tpu.vector_load %arg7[%get3A_102, %get3A_103] {strides = array<i32>} : memref<40x128xi32, #tpu.memory_space<vmem>>, vector<1x16xi32>,
      %get3A_105 = vector.shape_cast %get3A_104 : vector<1x16xi32> to vector<16xi32>
      %mul3A_106 = arith.constant 10240 : i32
      %mul3A_107 = vector.broadcast %mul3A_106 : i32 to vector<16xi32>
      %mul3A_108 = arith.muli %get3A_105, %mul3A_107 : vector<16xi32>
      %get3A_109 = arith.index_cast %scan3A_69 : i32 to index
      %get3A_110 = arith.constant 32 : index
      %get3A_111 = tpu.vector_load %arg6[%get3A_109, %get3A_110] {strides = array<i32>} : memref<40x128xi32, #tpu.memory_space<vmem>>, vector<1x16xi32>,
      %get3A_112 = vector.shape_cast %get3A_111 : vector<1x16xi32> to vector<16xi32>
      %add3A_113 = arith.addi %mul3A_108, %get3A_112 : vector<16xi32>
      %swap3A_114 = arith.index_cast %scan3A_69 : i32 to index
      %swap3A_115 = arith.constant 32 : index
      %swap3A_116 = tpu.vector_load %arg7[%swap3A_114, %swap3A_115] {strides = array<i32>} : memref<40x128xi32, #tpu.memory_space<vmem>>, vector<1x16xi32>,
      %swap3A_117 = vector.shape_cast %swap3A_116 : vector<1x16xi32> to vector<16xi32>
      %swap3A_118 = vector.shape_cast %add3A_113 : vector<16xi32> to vector<1x16xi32>
      tpu.vector_store %arg7[%swap3A_114, %swap3A_115], %swap3A_118 {strides = array<i32>} : memref<40x128xi32, #tpu.memory_space<vmem>>, vector<1x16xi32>,
      %get3A_119 = arith.index_cast %scan3A_69 : i32 to index
      %get3A_120 = arith.constant 48 : index
      %get3A_121 = tpu.vector_load %arg7[%get3A_119, %get3A_120] {strides = array<i32>} : memref<40x128xi32, #tpu.memory_space<vmem>>, vector<1x16xi32>,
      %get3A_122 = vector.shape_cast %get3A_121 : vector<1x16xi32> to vector<16xi32>
      %mul3A_123 = arith.constant 10240 : i32
      %mul3A_124 = vector.broadcast %mul3A_123 : i32 to vector<16xi32>
      %mul3A_125 = arith.muli %get3A_122, %mul3A_124 : vector<16xi32>
      %get3A_126 = arith.index_cast %scan3A_69 : i32 to index
      %get3A_127 = arith.constant 48 : index
      %get3A_128 = tpu.vector_load %arg6[%get3A_126, %get3A_127] {strides = array<i32>} : memref<40x128xi32, #tpu.memory_space<vmem>>, vector<1x16xi32>,
      %get3A_129 = vector.shape_cast %get3A_128 : vector<1x16xi32> to vector<16xi32>
      %add3A_130 = arith.addi %mul3A_125, %get3A_129 : vector<16xi32>
      %swap3A_131 = arith.index_cast %scan3A_69 : i32 to index
      %swap3A_132 = arith.constant 48 : index
      %swap3A_133 = tpu.vector_load %arg7[%swap3A_131, %swap3A_132] {strides = array<i32>} : memref<40x128xi32, #tpu.memory_space<vmem>>, vector<1x16xi32>,
      %swap3A_134 = vector.shape_cast %swap3A_133 : vector<1x16xi32> to vector<16xi32>
      %swap3A_135 = vector.shape_cast %add3A_130 : vector<16xi32> to vector<1x16xi32>
      tpu.vector_store %arg7[%swap3A_131, %swap3A_132], %swap3A_135 {strides = array<i32>} : memref<40x128xi32, #tpu.memory_space<vmem>>, vector<1x16xi32>,
      %get3A_136 = arith.index_cast %scan3A_69 : i32 to index
      %get3A_137 = arith.constant 64 : index
      %get3A_138 = tpu.vector_load %arg7[%get3A_136, %get3A_137] {strides = array<i32>} : memref<40x128xi32, #tpu.memory_space<vmem>>, vector<1x16xi32>,
      %get3A_139 = vector.shape_cast %get3A_138 : vector<1x16xi32> to vector<16xi32>
      %mul3A_140 = arith.constant 10240 : i32
      %mul3A_141 = vector.broadcast %mul3A_140 : i32 to vector<16xi32>
      %mul3A_142 = arith.muli %get3A_139, %mul3A_141 : vector<16xi32>
      %get3A_143 = arith.index_cast %scan3A_69 : i32 to index
      %get3A_144 = arith.constant 64 : index
      %get3A_145 = tpu.vector_load %arg6[%get3A_143, %get3A_144] {strides = array<i32>} : memref<40x128xi32, #tpu.memory_space<vmem>>, vector<1x16xi32>,
      %get3A_146 = vector.shape_cast %get3A_145 : vector<1x16xi32> to vector<16xi32>
      %add3A_147 = arith.addi %mul3A_142, %get3A_146 : vector<16xi32>
      %swap3A_148 = arith.index_cast %scan3A_69 : i32 to index
      %swap3A_149 = arith.constant 64 : index
      %swap3A_150 = tpu.vector_load %arg7[%swap3A_148, %swap3A_149] {strides = array<i32>} : memref<40x128xi32, #tpu.memory_space<vmem>>, vector<1x16xi32>,
      %swap3A_151 = vector.shape_cast %swap3A_150 : vector<1x16xi32> to vector<16xi32>
      %swap3A_152 = vector.shape_cast %add3A_147 : vector<16xi32> to vector<1x16xi32>
      tpu.vector_store %arg7[%swap3A_148, %swap3A_149], %swap3A_152 {strides = array<i32>} : memref<40x128xi32, #tpu.memory_space<vmem>>, vector<1x16xi32>,
      %get3A_153 = arith.index_cast %scan3A_69 : i32 to index
      %get3A_154 = arith.constant 80 : index
      %get3A_155 = tpu.vector_load %arg7[%get3A_153, %get3A_154] {strides = array<i32>} : memref<40x128xi32, #tpu.memory_space<vmem>>, vector<1x16xi32>,
      %get3A_156 = vector.shape_cast %get3A_155 : vector<1x16xi32> to vector<16xi32>
      %mul3A_157 = arith.constant 10240 : i32
      %mul3A_158 = vector.broadcast %mul3A_157 : i32 to vector<16xi32>
      %mul3A_159 = arith.muli %get3A_156, %mul3A_158 : vector<16xi32>
      %get3A_160 = arith.index_cast %scan3A_69 : i32 to index
      %get3A_161 = arith.constant 80 : index
      %get3A_162 = tpu.vector_load %arg6[%get3A_160, %get3A_161] {strides = array<i32>} : memref<40x128xi32, #tpu.memory_space<vmem>>, vector<1x16xi32>,
      %get3A_163 = vector.shape_cast %get3A_162 : vector<1x16xi32> to vector<16xi32>
      %add3A_164 = arith.addi %mul3A_159, %get3A_163 : vector<16xi32>
      %swap3A_165 = arith.index_cast %scan3A_69 : i32 to index
      %swap3A_166 = arith.constant 80 : index
      %swap3A_167 = tpu.vector_load %arg7[%swap3A_165, %swap3A_166] {strides = array<i32>} : memref<40x128xi32, #tpu.memory_space<vmem>>, vector<1x16xi32>,
      %swap3A_168 = vector.shape_cast %swap3A_167 : vector<1x16xi32> to vector<16xi32>
      %swap3A_169 = vector.shape_cast %add3A_164 : vector<16xi32> to vector<1x16xi32>
      tpu.vector_store %arg7[%swap3A_165, %swap3A_166], %swap3A_169 {strides = array<i32>} : memref<40x128xi32, #tpu.memory_space<vmem>>, vector<1x16xi32>,
      %get3A_170 = arith.index_cast %scan3A_69 : i32 to index
      %get3A_171 = arith.constant 96 : index
      %get3A_172 = tpu.vector_load %arg7[%get3A_170, %get3A_171] {strides = array<i32>} : memref<40x128xi32, #tpu.memory_space<vmem>>, vector<1x16xi32>,
      %get3A_173 = vector.shape_cast %get3A_172 : vector<1x16xi32> to vector<16xi32>
      %mul3A_174 = arith.constant 10240 : i32
      %mul3A_175 = vector.broadcast %mul3A_174 : i32 to vector<16xi32>
      %mul3A_176 = arith.muli %get3A_173, %mul3A_175 : vector<16xi32>
      %get3A_177 = arith.index_cast %scan3A_69 : i32 to index
      %get3A_178 = arith.constant 96 : index
      %get3A_179 = tpu.vector_load %arg6[%get3A_177, %get3A_178] {strides = array<i32>} : memref<40x128xi32, #tpu.memory_space<vmem>>, vector<1x16xi32>,
      %get3A_180 = vector.shape_cast %get3A_179 : vector<1x16xi32> to vector<16xi32>
      %add3A_181 = arith.addi %mul3A_176, %get3A_180 : vector<16xi32>
      %swap3A_182 = arith.index_cast %scan3A_69 : i32 to index
      %swap3A_183 = arith.constant 96 : index
      %swap3A_184 = tpu.vector_load %arg7[%swap3A_182, %swap3A_183] {strides = array<i32>} : memref<40x128xi32, #tpu.memory_space<vmem>>, vector<1x16xi32>,
      %swap3A_185 = vector.shape_cast %swap3A_184 : vector<1x16xi32> to vector<16xi32>
      %swap3A_186 = vector.shape_cast %add3A_181 : vector<16xi32> to vector<1x16xi32>
      tpu.vector_store %arg7[%swap3A_182, %swap3A_183], %swap3A_186 {strides = array<i32>} : memref<40x128xi32, #tpu.memory_space<vmem>>, vector<1x16xi32>,
      %get3A_187 = arith.index_cast %scan3A_69 : i32 to index
      %get3A_188 = arith.constant 112 : index
      %get3A_189 = tpu.vector_load %arg7[%get3A_187, %get3A_188] {strides = array<i32>} : memref<40x128xi32, #tpu.memory_space<vmem>>, vector<1x16xi32>,
      %get3A_190 = vector.shape_cast %get3A_189 : vector<1x16xi32> to vector<16xi32>
      %mul3A_191 = arith.constant 10240 : i32
      %mul3A_192 = vector.broadcast %mul3A_191 : i32 to vector<16xi32>
      %mul3A_193 = arith.muli %get3A_190, %mul3A_192 : vector<16xi32>
      %get3A_194 = arith.index_cast %scan3A_69 : i32 to index
      %get3A_195 = arith.constant 112 : index
      %get3A_196 = tpu.vector_load %arg6[%get3A_194, %get3A_195] {strides = array<i32>} : memref<40x128xi32, #tpu.memory_space<vmem>>, vector<1x16xi32>,
      %get3A_197 = vector.shape_cast %get3A_196 : vector<1x16xi32> to vector<16xi32>
      %add3A_198 = arith.addi %mul3A_193, %get3A_197 : vector<16xi32>
      %swap3A_199 = arith.index_cast %scan3A_69 : i32 to index
      %swap3A_200 = arith.constant 112 : index
      %swap3A_201 = tpu.vector_load %arg7[%swap3A_199, %swap3A_200] {strides = array<i32>} : memref<40x128xi32, #tpu.memory_space<vmem>>, vector<1x16xi32>,
      %swap3A_202 = vector.shape_cast %swap3A_201 : vector<1x16xi32> to vector<16xi32>
      %swap3A_203 = vector.shape_cast %add3A_198 : vector<16xi32> to vector<1x16xi32>
      tpu.vector_store %arg7[%swap3A_199, %swap3A_200], %swap3A_203 {strides = array<i32>} : memref<40x128xi32, #tpu.memory_space<vmem>>, vector<1x16xi32>,
    }
    %scan3A_43 = arith.constant 40 : i32
    %dma_wait3A_44 = arith.constant 0 : i32
    %dma_wait3A_45 = tpu.memref_slice %arg4[%select_n3A, %dma_wait3A_44] : memref<1280x128xf32, #tpu.memory_space<hbm>> -> memref<40x128xf32, #tpu.memory_space<hbm>>
    %dma_wait3A_46 = arith.constant 0 : i32
    %dma_wait3A_47 = tpu.memref_slice %arg4[%select_n3A, %dma_wait3A_46] : memref<1280x128xf32, #tpu.memory_space<hbm>> -> memref<40x128xf32, #tpu.memory_space<hbm>>
    tpu.wait_dma2 semaphore(%arg11 : memref<!tpu.dma_semaphore, #tpu.memory_space<semaphore_mem>>) src(%dma_wait3A_47 : memref<40x128xf32, #tpu.memory_space<hbm>>) dst(%arg8 : memref<40x128xf32, #tpu.memory_space<vmem>>)
    %eq3A_48 = arith.constant 1 : i32
    %eq3A_49 = arith.cmpi eq, %arg0, %eq3A_48 : i32
    %convert_element_type3A = arith.extui %eq3A_49 : i1 to i32
    %cond3A = arith.constant 0 : i32
    %cond3A_50 = arith.cmpi ne, %convert_element_type3A, %cond3A : i32
    scf.if %cond3A_50 {
    } else {
    }
    %dma_wait3A_51 = tpu.memref_slice %arg10[%mul3A_6] : memref<81920xf32, #tpu.memory_space<vmem_shared>> -> memref<5120xf32, #tpu.memory_space<vmem_shared>>
    %dma_wait3A_52 = tpu.memref_slice %arg10[%mul3A_6] : memref<81920xf32, #tpu.memory_space<vmem_shared>> -> memref<5120xf32, #tpu.memory_space<vmem_shared>>
    tpu.wait_dma2 semaphore(%arg11 : memref<!tpu.dma_semaphore, #tpu.memory_space<semaphore_mem>>) src(%arg9 : memref<5120xf32, #tpu.memory_space<vmem>>) dst(%dma_wait3A_52 : memref<5120xf32, #tpu.memory_space<vmem_shared>>)
    %barrier3A = arith.constant 0 : index
    tpu.barrier barrier_id(%barrier3A)
    %scan3A_53 = arith.constant 0 : i32
    %scan3A_54 = arith.constant 0 : i32
    %scan3A_55 = arith.constant 40 : i32
    %scan3A_56 = arith.addi %scan3A_54, %scan3A_55 : i32
    %scan3A_57 = arith.constant 1 : i32
    scf.for %scan3A_69 = %scan3A_54 to %scan3A_56 step %scan3A_57  : i32 {
      %dma_start3A_70 = arith.constant 0 : i32
      %dma_start3A_71 = tpu.memref_slice %arg8[%scan3A_69, %dma_start3A_70] : memref<40x128xf32, #tpu.memory_space<vmem>> -> memref<1x128xf32, #tpu.memory_space<vmem>>
      %dma_start3A_72 = tpu.memref_squeeze %dma_start3A_71 : memref<1x128xf32, #tpu.memory_space<vmem>> -> memref<128xf32, #tpu.memory_space<vmem>>
      %dma_start3A_73 = arith.constant 0 : i32
      %dma_start3A_74 = tpu.memref_slice %arg7[%scan3A_69, %dma_start3A_73] : memref<40x128xi32, #tpu.memory_space<vmem>> -> memref<1x128xi32, #tpu.memory_space<vmem>>
      %dma_start3A_75 = tpu.memref_squeeze %dma_start3A_74 : memref<1x128xi32, #tpu.memory_space<vmem>> -> memref<128xi32, #tpu.memory_space<vmem>>
      %dma_start3A_76 = arith.constant 0 : i32
      %dma_start3A_77 = tpu.memref_slice %arg10[%dma_start3A_76] : memref<81920xf32, #tpu.memory_space<vmem_shared>> -> memref<81920xf32, #tpu.memory_space<vmem_shared>>
      tpu.enqueue_indirect_dma source(%dma_start3A_72 : memref<128xf32, #tpu.memory_space<vmem>>) target(%dma_start3A_77 : memref<81920xf32, #tpu.memory_space<vmem_shared>>) offsets(%dma_start3A_75 : memref<128xi32, #tpu.memory_space<vmem>>) semaphore(%arg11 : memref<!tpu.dma_semaphore, #tpu.memory_space<semaphore_mem>>) {add = true}
    }
    %scan3A_58 = arith.constant 40 : i32
    %scan3A_59 = arith.constant 0 : i32
    %scan3A_60 = arith.constant 0 : i32
    %scan3A_61 = arith.constant 40 : i32
    %scan3A_62 = arith.addi %scan3A_60, %scan3A_61 : i32
    %scan3A_63 = arith.constant 1 : i32
    scf.for %scan3A_69 = %scan3A_60 to %scan3A_62 step %scan3A_63  : i32 {
      %dma_wait3A_70 = arith.constant 0 : i32
      %dma_wait3A_71 = tpu.memref_slice %arg8[%scan3A_69, %dma_wait3A_70] : memref<40x128xf32, #tpu.memory_space<vmem>> -> memref<1x128xf32, #tpu.memory_space<vmem>>
      %dma_wait3A_72 = tpu.memref_squeeze %dma_wait3A_71 : memref<1x128xf32, #tpu.memory_space<vmem>> -> memref<128xf32, #tpu.memory_space<vmem>>
      %dma_wait3A_73 = arith.constant 0 : i32
      %dma_wait3A_74 = tpu.memref_slice %arg7[%scan3A_69, %dma_wait3A_73] : memref<40x128xi32, #tpu.memory_space<vmem>> -> memref<1x128xi32, #tpu.memory_space<vmem>>
      %dma_wait3A_75 = tpu.memref_squeeze %dma_wait3A_74 : memref<1x128xi32, #tpu.memory_space<vmem>> -> memref<128xi32, #tpu.memory_space<vmem>>
      %dma_wait3A_76 = arith.constant 0 : i32
      %dma_wait3A_77 = tpu.memref_slice %arg10[%dma_wait3A_76] : memref<81920xf32, #tpu.memory_space<vmem_shared>> -> memref<81920xf32, #tpu.memory_space<vmem_shared>>
      tpu.wait_indirect_dma semaphore(%arg11 : memref<!tpu.dma_semaphore, #tpu.memory_space<semaphore_mem>>) src(%dma_wait3A_72 : memref<128xf32, #tpu.memory_space<vmem>>) dst(%dma_wait3A_77 : memref<81920xf32, #tpu.memory_space<vmem_shared>>)
    }
    %scan3A_64 = arith.constant 40 : i32
    %barrier3A_65 = arith.constant 0 : index
    tpu.barrier barrier_id(%barrier3A_65)
    %mul3A_66 = arith.constant 81920 : i32
    %mul3A_67 = arith.muli %arg0, %mul3A_66 : i32
    %add3A_68 = arith.addi %mul3A_67, %mul3A_6 : i32
    "tpu.region"() ({
      %run_scoped3A = tpu.sem_alloc : memref<!tpu.dma_semaphore, #tpu.memory_space<semaphore_mem>>
      %dma_start3A_69 = tpu.memref_slice %arg5[%add3A_68] : memref<163840xf32, #tpu.memory_space<hbm>> -> memref<5120xf32, #tpu.memory_space<hbm>>
      %dma_start3A_70 = tpu.memref_slice %arg10[%mul3A_6] : memref<81920xf32, #tpu.memory_space<vmem_shared>> -> memref<5120xf32, #tpu.memory_space<vmem_shared>>
      tpu.enqueue_dma source(%dma_start3A_70 : memref<5120xf32, #tpu.memory_space<vmem_shared>>) target(%dma_start3A_69 : memref<5120xf32, #tpu.memory_space<hbm>>) target_semaphore(%run_scoped3A : memref<!tpu.dma_semaphore, #tpu.memory_space<semaphore_mem>>)
      %dma_wait3A_71 = tpu.memref_slice %arg5[%add3A_68] : memref<163840xf32, #tpu.memory_space<hbm>> -> memref<5120xf32, #tpu.memory_space<hbm>>
      %dma_wait3A_72 = tpu.memref_slice %arg10[%mul3A_6] : memref<81920xf32, #tpu.memory_space<vmem_shared>> -> memref<5120xf32, #tpu.memory_space<vmem_shared>>
      tpu.wait_dma2 semaphore(%run_scoped3A : memref<!tpu.dma_semaphore, #tpu.memory_space<semaphore_mem>>) src(%dma_wait3A_72 : memref<5120xf32, #tpu.memory_space<vmem_shared>>) dst(%dma_wait3A_71 : memref<5120xf32, #tpu.memory_space<hbm>>)
      tpu.yield
    }) : () -> ()
    return
  }
}

module attributes {stable_mosaic.version = 14 : i64} {
  func.func @_tc_root_body(%arg0: i32, %arg1: memref<2048x128xbf16, #tpu.memory_space<vmem>>, %arg2: memref<128x128xbf16, #tpu.memory_space<vmem>>, %arg3: memref<2048x128xbf16, #tpu.memory_space<vmem>>) attributes {dimension_semantics = [#tpu.dimension_semantics<arbitrary>], iteration_bounds = array<i64: 5>, scalar_prefetch = 0 : i64, scratch_operands = 0 : i64, tpu.core_type = #tpu.core_type<tc>, window_params = [{transform_indices = @transform_0, window_bounds = array<i64: 2048, 128>}, {pipeline_mode = #tpu.pipeline_mode<synchronous>, transform_indices = @transform_1, window_bounds = array<i64: 128, 128>}, {transform_indices = @transform_2, window_bounds = array<i64: 2048, 128>}]} {
    %get3A = arith.constant 0 : index
    %get3A_0 = arith.constant 0 : index
    %get3A_1 = vector.load %arg1[%get3A, %get3A_0] : memref<2048x128xbf16, #tpu.memory_space<vmem>>, vector<2048x128xbf16>
    %get3A_2 = arith.constant 0 : index
    %get3A_3 = arith.constant 0 : index
    %get3A_4 = vector.load %arg2[%get3A_2, %get3A_3] : memref<128x128xbf16, #tpu.memory_space<vmem>>, vector<128x128xbf16>
    %dot_general3A = arith.constant dense<0.000000e+00> : vector<2048x128xf32>
    %dot_general3A_5 = tpu.matmul %get3A_1, %get3A_4, %dot_general3A {dimension_numbers = #tpu.dot_dimension_numbers<[1], [0], [0], [1], [0, 0, 1, 1], [], []>, transpose_lhs_hint = false} : vector<2048x128xbf16>, vector<128x128xbf16>, vector<2048x128xf32> -> vector<2048x128xf32>
    %convert_element_type3A = arith.truncf %dot_general3A_5 : vector<2048x128xf32> to vector<2048x128xbf16>
    %swap3A = arith.constant 0 : index
    %swap3A_6 = arith.constant 0 : index
    %swap3A_7 = vector.load %arg3[%swap3A, %swap3A_6] : memref<2048x128xbf16, #tpu.memory_space<vmem>>, vector<2048x128xbf16>
    tpu.vector_store %arg3[%swap3A, %swap3A_6], %convert_element_type3A {strides = array<i32>} : memref<2048x128xbf16, #tpu.memory_space<vmem>>, vector<2048x128xbf16>,
    return
  }
  func.func @transform_0(%arg0: i32) -> (i32, i32) {
    %c0_i32 = arith.constant 0 : i32
    %c0_i32_0 = arith.constant 0 : i32
    return %arg0, %c0_i32 : i32, i32
  }
  func.func @transform_1(%arg0: i32) -> (i32, i32) {
    %c0_i32 = arith.constant 0 : i32
    %c0_i32_0 = arith.constant 0 : i32
    %c0_i32_1 = arith.constant 0 : i32
    return %c0_i32, %c0_i32_0 : i32, i32
  }
  func.func @transform_2(%arg0: i32) -> (i32, i32) {
    %c0_i32 = arith.constant 0 : i32
    %c0_i32_0 = arith.constant 0 : i32
    return %arg0, %c0_i32 : i32, i32
  }
}

module attributes {stable_mosaic.version = 14 : i64} {
  func.func @_tc_body(%arg0: i32, %arg1: memref<2048x128xbf16, #tpu.memory_space<vmem>>, %arg2: memref<8x128x128xbf16, #tpu.memory_space<vmem>>, %arg3: memref<2048x128xbf16, #tpu.memory_space<vmem>>, %arg4: memref<2048xf32, #tpu.memory_space<vmem>>, %arg5: memref<2048xf32, #tpu.memory_space<vmem>>, %arg6: memref<2048xf32, #tpu.memory_space<vmem>>, %arg7: memref<2048xf32, #tpu.memory_space<vmem>>, %arg8: memref<2048xf32, #tpu.memory_space<vmem>>, %arg9: memref<2048xf32, #tpu.memory_space<vmem>>, %arg10: memref<2048xf32, #tpu.memory_space<vmem>>, %arg11: memref<2048xf32, #tpu.memory_space<vmem>>, %arg12: memref<2048xf32, #tpu.memory_space<vmem>>, %arg13: memref<2048xf32, #tpu.memory_space<vmem>>, %arg14: memref<2048xf32, #tpu.memory_space<vmem>>, %arg15: memref<2048xf32, #tpu.memory_space<vmem>>, %arg16: memref<2048xf32, #tpu.memory_space<vmem>>, %arg17: memref<2048xf32, #tpu.memory_space<vmem>>, %arg18: memref<2048xf32, #tpu.memory_space<vmem>>, %arg19: memref<2048xf32, #tpu.memory_space<vmem>>, %arg20: memref<2048x128xf32, #tpu.memory_space<vmem>>) attributes {dimension_semantics = [#tpu.dimension_semantics<arbitrary>], iteration_bounds = array<i64: 5>, scalar_prefetch = 0 : i64, scratch_operands = 0 : i64, tpu.core_type = #tpu.core_type<tc>, window_params = [{transform_indices = @transform_0, window_bounds = array<i64: 2048, 128>}, {pipeline_mode = #tpu.pipeline_mode<synchronous>, transform_indices = @transform_1, window_bounds = array<i64: 8, 128, 128>}, {transform_indices = @transform_2, window_bounds = array<i64: 2048, 128>}, {transform_indices = @transform_3, window_bounds = array<i64: 2048>}, {transform_indices = @transform_4, window_bounds = array<i64: 2048>}, {transform_indices = @transform_5, window_bounds = array<i64: 2048>}, {transform_indices = @transform_6, window_bounds = array<i64: 2048>}, {transform_indices = @transform_7, window_bounds = array<i64: 2048>}, {transform_indices = @transform_8, window_bounds = array<i64: 2048>}, {transform_indices = @transform_9, window_bounds = array<i64: 2048>}, {transform_indices = @transform_10, window_bounds = array<i64: 2048>}, {transform_indices = @transform_11, window_bounds = array<i64: 2048>}, {transform_indices = @transform_12, window_bounds = array<i64: 2048>}, {transform_indices = @transform_13, window_bounds = array<i64: 2048>}, {transform_indices = @transform_14, window_bounds = array<i64: 2048>}, {transform_indices = @transform_15, window_bounds = array<i64: 2048>}, {transform_indices = @transform_16, window_bounds = array<i64: 2048>}, {transform_indices = @transform_17, window_bounds = array<i64: 2048>}, {transform_indices = @transform_18, window_bounds = array<i64: 2048>}, {transform_indices = @transform_19, window_bounds = array<i64: 2048, 128>}]} {
    %get3A = arith.constant 0 : index
    %get3A_0 = arith.constant 0 : index
    %get3A_1 = vector.load %arg1[%get3A, %get3A_0] : memref<2048x128xbf16, #tpu.memory_space<vmem>>, vector<2048x128xbf16>
    %get3A_2 = arith.constant 0 : index
    %get3A_3 = arith.constant 0 : index
    %get3A_4 = vector.load %arg3[%get3A_2, %get3A_3] : memref<2048x128xbf16, #tpu.memory_space<vmem>>, vector<2048x128xbf16>
    %convert_element_type3A = arith.extf %get3A_4 : vector<2048x128xbf16> to vector<2048x128xf32>
    %get3A_5 = arith.constant 0 : index
    %get3A_6 = vector.load %arg4[%get3A_5] : memref<2048xf32, #tpu.memory_space<vmem>>, vector<2048xf32>
    %get3A_7 = arith.constant 0 : index
    %get3A_8 = vector.load %arg12[%get3A_7] : memref<2048xf32, #tpu.memory_space<vmem>>, vector<2048xf32>
    %add3A = arith.addf %get3A_6, %get3A_8 : vector<2048xf32>
    %convert_element_type3A_9 = arith.truncf %add3A : vector<2048xf32> to vector<2048xbf16>
    %broadcast_in_dim3A = vector.shape_cast %convert_element_type3A_9 : vector<2048xbf16> to vector<2048x1xbf16>
    %mul3A = vector.broadcast %broadcast_in_dim3A : vector<2048x1xbf16> to vector<2048x128xbf16>
    %mul3A_10 = arith.mulf %get3A_1, %mul3A : vector<2048x128xbf16>
    %get3A_11 = arith.constant 0 : index
    %get3A_12 = arith.constant 0 : index
    %get3A_13 = arith.constant 0 : index
    %get3A_14 = vector.load %arg2[%get3A_11, %get3A_12, %get3A_13] : memref<8x128x128xbf16, #tpu.memory_space<vmem>>, vector<1x128x128xbf16>
    %get3A_15 = vector.shape_cast %get3A_14 : vector<1x128x128xbf16> to vector<128x128xbf16>
    %dot_general3A = arith.constant dense<0.000000e+00> : vector<2048x128xf32>
    %dot_general3A_16 = tpu.matmul %mul3A_10, %get3A_15, %dot_general3A {dimension_numbers = #tpu.dot_dimension_numbers<[1], [0], [0], [1], [0, 0, 1, 1], [], []>, transpose_lhs_hint = false} : vector<2048x128xbf16>, vector<128x128xbf16>, vector<2048x128xf32> -> vector<2048x128xf32>
    %get3A_17 = arith.constant 0 : index
    %get3A_18 = vector.load %arg5[%get3A_17] : memref<2048xf32, #tpu.memory_space<vmem>>, vector<2048xf32>
    %get3A_19 = arith.constant 0 : index
    %get3A_20 = vector.load %arg13[%get3A_19] : memref<2048xf32, #tpu.memory_space<vmem>>, vector<2048xf32>
    %add3A_21 = arith.addf %get3A_18, %get3A_20 : vector<2048xf32>
    %convert_element_type3A_22 = arith.truncf %add3A_21 : vector<2048xf32> to vector<2048xbf16>
    %broadcast_in_dim3A_23 = vector.shape_cast %convert_element_type3A_22 : vector<2048xbf16> to vector<2048x1xbf16>
    %mul3A_24 = vector.broadcast %broadcast_in_dim3A_23 : vector<2048x1xbf16> to vector<2048x128xbf16>
    %mul3A_25 = arith.mulf %get3A_1, %mul3A_24 : vector<2048x128xbf16>
    %get3A_26 = arith.constant 1 : index
    %get3A_27 = arith.constant 0 : index
    %get3A_28 = arith.constant 0 : index
    %get3A_29 = vector.load %arg2[%get3A_26, %get3A_27, %get3A_28] : memref<8x128x128xbf16, #tpu.memory_space<vmem>>, vector<1x128x128xbf16>
    %get3A_30 = vector.shape_cast %get3A_29 : vector<1x128x128xbf16> to vector<128x128xbf16>
    %dot_general3A_31 = arith.constant dense<0.000000e+00> : vector<2048x128xf32>
    %dot_general3A_32 = tpu.matmul %mul3A_25, %get3A_30, %dot_general3A_31 {dimension_numbers = #tpu.dot_dimension_numbers<[1], [0], [0], [1], [0, 0, 1, 1], [], []>, transpose_lhs_hint = false} : vector<2048x128xbf16>, vector<128x128xbf16>, vector<2048x128xf32> -> vector<2048x128xf32>
    %get3A_33 = arith.constant 0 : index
    %get3A_34 = vector.load %arg6[%get3A_33] : memref<2048xf32, #tpu.memory_space<vmem>>, vector<2048xf32>
    %get3A_35 = arith.constant 0 : index
    %get3A_36 = vector.load %arg14[%get3A_35] : memref<2048xf32, #tpu.memory_space<vmem>>, vector<2048xf32>
    %add3A_37 = arith.addf %get3A_34, %get3A_36 : vector<2048xf32>
    %convert_element_type3A_38 = arith.truncf %add3A_37 : vector<2048xf32> to vector<2048xbf16>
    %broadcast_in_dim3A_39 = vector.shape_cast %convert_element_type3A_38 : vector<2048xbf16> to vector<2048x1xbf16>
    %mul3A_40 = vector.broadcast %broadcast_in_dim3A_39 : vector<2048x1xbf16> to vector<2048x128xbf16>
    %mul3A_41 = arith.mulf %get3A_1, %mul3A_40 : vector<2048x128xbf16>
    %get3A_42 = arith.constant 2 : index
    %get3A_43 = arith.constant 0 : index
    %get3A_44 = arith.constant 0 : index
    %get3A_45 = vector.load %arg2[%get3A_42, %get3A_43, %get3A_44] : memref<8x128x128xbf16, #tpu.memory_space<vmem>>, vector<1x128x128xbf16>
    %get3A_46 = vector.shape_cast %get3A_45 : vector<1x128x128xbf16> to vector<128x128xbf16>
    %dot_general3A_47 = arith.constant dense<0.000000e+00> : vector<2048x128xf32>
    %dot_general3A_48 = tpu.matmul %mul3A_41, %get3A_46, %dot_general3A_47 {dimension_numbers = #tpu.dot_dimension_numbers<[1], [0], [0], [1], [0, 0, 1, 1], [], []>, transpose_lhs_hint = false} : vector<2048x128xbf16>, vector<128x128xbf16>, vector<2048x128xf32> -> vector<2048x128xf32>
    %get3A_49 = arith.constant 0 : index
    %get3A_50 = vector.load %arg7[%get3A_49] : memref<2048xf32, #tpu.memory_space<vmem>>, vector<2048xf32>
    %get3A_51 = arith.constant 0 : index
    %get3A_52 = vector.load %arg15[%get3A_51] : memref<2048xf32, #tpu.memory_space<vmem>>, vector<2048xf32>
    %add3A_53 = arith.addf %get3A_50, %get3A_52 : vector<2048xf32>
    %convert_element_type3A_54 = arith.truncf %add3A_53 : vector<2048xf32> to vector<2048xbf16>
    %broadcast_in_dim3A_55 = vector.shape_cast %convert_element_type3A_54 : vector<2048xbf16> to vector<2048x1xbf16>
    %mul3A_56 = vector.broadcast %broadcast_in_dim3A_55 : vector<2048x1xbf16> to vector<2048x128xbf16>
    %mul3A_57 = arith.mulf %get3A_1, %mul3A_56 : vector<2048x128xbf16>
    %get3A_58 = arith.constant 3 : index
    %get3A_59 = arith.constant 0 : index
    %get3A_60 = arith.constant 0 : index
    %get3A_61 = vector.load %arg2[%get3A_58, %get3A_59, %get3A_60] : memref<8x128x128xbf16, #tpu.memory_space<vmem>>, vector<1x128x128xbf16>
    %get3A_62 = vector.shape_cast %get3A_61 : vector<1x128x128xbf16> to vector<128x128xbf16>
    %dot_general3A_63 = arith.constant dense<0.000000e+00> : vector<2048x128xf32>
    %dot_general3A_64 = tpu.matmul %mul3A_57, %get3A_62, %dot_general3A_63 {dimension_numbers = #tpu.dot_dimension_numbers<[1], [0], [0], [1], [0, 0, 1, 1], [], []>, transpose_lhs_hint = false} : vector<2048x128xbf16>, vector<128x128xbf16>, vector<2048x128xf32> -> vector<2048x128xf32>
    %get3A_65 = arith.constant 0 : index
    %get3A_66 = vector.load %arg8[%get3A_65] : memref<2048xf32, #tpu.memory_space<vmem>>, vector<2048xf32>
    %get3A_67 = arith.constant 0 : index
    %get3A_68 = vector.load %arg16[%get3A_67] : memref<2048xf32, #tpu.memory_space<vmem>>, vector<2048xf32>
    %add3A_69 = arith.addf %get3A_66, %get3A_68 : vector<2048xf32>
    %convert_element_type3A_70 = arith.truncf %add3A_69 : vector<2048xf32> to vector<2048xbf16>
    %broadcast_in_dim3A_71 = vector.shape_cast %convert_element_type3A_70 : vector<2048xbf16> to vector<2048x1xbf16>
    %mul3A_72 = vector.broadcast %broadcast_in_dim3A_71 : vector<2048x1xbf16> to vector<2048x128xbf16>
    %mul3A_73 = arith.mulf %get3A_1, %mul3A_72 : vector<2048x128xbf16>
    %get3A_74 = arith.constant 4 : index
    %get3A_75 = arith.constant 0 : index
    %get3A_76 = arith.constant 0 : index
    %get3A_77 = vector.load %arg2[%get3A_74, %get3A_75, %get3A_76] : memref<8x128x128xbf16, #tpu.memory_space<vmem>>, vector<1x128x128xbf16>
    %get3A_78 = vector.shape_cast %get3A_77 : vector<1x128x128xbf16> to vector<128x128xbf16>
    %dot_general3A_79 = arith.constant dense<0.000000e+00> : vector<2048x128xf32>
    %dot_general3A_80 = tpu.matmul %mul3A_73, %get3A_78, %dot_general3A_79 {dimension_numbers = #tpu.dot_dimension_numbers<[1], [0], [0], [1], [0, 0, 1, 1], [], []>, transpose_lhs_hint = false} : vector<2048x128xbf16>, vector<128x128xbf16>, vector<2048x128xf32> -> vector<2048x128xf32>
    %get3A_81 = arith.constant 0 : index
    %get3A_82 = vector.load %arg9[%get3A_81] : memref<2048xf32, #tpu.memory_space<vmem>>, vector<2048xf32>
    %get3A_83 = arith.constant 0 : index
    %get3A_84 = vector.load %arg17[%get3A_83] : memref<2048xf32, #tpu.memory_space<vmem>>, vector<2048xf32>
    %add3A_85 = arith.addf %get3A_82, %get3A_84 : vector<2048xf32>
    %convert_element_type3A_86 = arith.truncf %add3A_85 : vector<2048xf32> to vector<2048xbf16>
    %broadcast_in_dim3A_87 = vector.shape_cast %convert_element_type3A_86 : vector<2048xbf16> to vector<2048x1xbf16>
    %mul3A_88 = vector.broadcast %broadcast_in_dim3A_87 : vector<2048x1xbf16> to vector<2048x128xbf16>
    %mul3A_89 = arith.mulf %get3A_1, %mul3A_88 : vector<2048x128xbf16>
    %get3A_90 = arith.constant 5 : index
    %get3A_91 = arith.constant 0 : index
    %get3A_92 = arith.constant 0 : index
    %get3A_93 = vector.load %arg2[%get3A_90, %get3A_91, %get3A_92] : memref<8x128x128xbf16, #tpu.memory_space<vmem>>, vector<1x128x128xbf16>
    %get3A_94 = vector.shape_cast %get3A_93 : vector<1x128x128xbf16> to vector<128x128xbf16>
    %dot_general3A_95 = arith.constant dense<0.000000e+00> : vector<2048x128xf32>
    %dot_general3A_96 = tpu.matmul %mul3A_89, %get3A_94, %dot_general3A_95 {dimension_numbers = #tpu.dot_dimension_numbers<[1], [0], [0], [1], [0, 0, 1, 1], [], []>, transpose_lhs_hint = false} : vector<2048x128xbf16>, vector<128x128xbf16>, vector<2048x128xf32> -> vector<2048x128xf32>
    %get3A_97 = arith.constant 0 : index
    %get3A_98 = vector.load %arg10[%get3A_97] : memref<2048xf32, #tpu.memory_space<vmem>>, vector<2048xf32>
    %get3A_99 = arith.constant 0 : index
    %get3A_100 = vector.load %arg18[%get3A_99] : memref<2048xf32, #tpu.memory_space<vmem>>, vector<2048xf32>
    %add3A_101 = arith.addf %get3A_98, %get3A_100 : vector<2048xf32>
    %convert_element_type3A_102 = arith.truncf %add3A_101 : vector<2048xf32> to vector<2048xbf16>
    %broadcast_in_dim3A_103 = vector.shape_cast %convert_element_type3A_102 : vector<2048xbf16> to vector<2048x1xbf16>
    %mul3A_104 = vector.broadcast %broadcast_in_dim3A_103 : vector<2048x1xbf16> to vector<2048x128xbf16>
    %mul3A_105 = arith.mulf %get3A_1, %mul3A_104 : vector<2048x128xbf16>
    %get3A_106 = arith.constant 6 : index
    %get3A_107 = arith.constant 0 : index
    %get3A_108 = arith.constant 0 : index
    %get3A_109 = vector.load %arg2[%get3A_106, %get3A_107, %get3A_108] : memref<8x128x128xbf16, #tpu.memory_space<vmem>>, vector<1x128x128xbf16>
    %get3A_110 = vector.shape_cast %get3A_109 : vector<1x128x128xbf16> to vector<128x128xbf16>
    %dot_general3A_111 = arith.constant dense<0.000000e+00> : vector<2048x128xf32>
    %dot_general3A_112 = tpu.matmul %mul3A_105, %get3A_110, %dot_general3A_111 {dimension_numbers = #tpu.dot_dimension_numbers<[1], [0], [0], [1], [0, 0, 1, 1], [], []>, transpose_lhs_hint = false} : vector<2048x128xbf16>, vector<128x128xbf16>, vector<2048x128xf32> -> vector<2048x128xf32>
    %get3A_113 = arith.constant 0 : index
    %get3A_114 = vector.load %arg11[%get3A_113] : memref<2048xf32, #tpu.memory_space<vmem>>, vector<2048xf32>
    %get3A_115 = arith.constant 0 : index
    %get3A_116 = vector.load %arg19[%get3A_115] : memref<2048xf32, #tpu.memory_space<vmem>>, vector<2048xf32>
    %add3A_117 = arith.addf %get3A_114, %get3A_116 : vector<2048xf32>
    %convert_element_type3A_118 = arith.truncf %add3A_117 : vector<2048xf32> to vector<2048xbf16>
    %broadcast_in_dim3A_119 = vector.shape_cast %convert_element_type3A_118 : vector<2048xbf16> to vector<2048x1xbf16>
    %mul3A_120 = vector.broadcast %broadcast_in_dim3A_119 : vector<2048x1xbf16> to vector<2048x128xbf16>
    %mul3A_121 = arith.mulf %get3A_1, %mul3A_120 : vector<2048x128xbf16>
    %get3A_122 = arith.constant 7 : index
    %get3A_123 = arith.constant 0 : index
    %get3A_124 = arith.constant 0 : index
    %get3A_125 = vector.load %arg2[%get3A_122, %get3A_123, %get3A_124] : memref<8x128x128xbf16, #tpu.memory_space<vmem>>, vector<1x128x128xbf16>
    %get3A_126 = vector.shape_cast %get3A_125 : vector<1x128x128xbf16> to vector<128x128xbf16>
    %dot_general3A_127 = arith.constant dense<0.000000e+00> : vector<2048x128xf32>
    %dot_general3A_128 = tpu.matmul %mul3A_121, %get3A_126, %dot_general3A_127 {dimension_numbers = #tpu.dot_dimension_numbers<[1], [0], [0], [1], [0, 0, 1, 1], [], []>, transpose_lhs_hint = false} : vector<2048x128xbf16>, vector<128x128xbf16>, vector<2048x128xf32> -> vector<2048x128xf32>
    %add3A_129 = arith.addf %convert_element_type3A, %dot_general3A_16 : vector<2048x128xf32>
    %add3A_130 = arith.addf %dot_general3A_32, %dot_general3A_48 : vector<2048x128xf32>
    %add3A_131 = arith.addf %dot_general3A_64, %dot_general3A_80 : vector<2048x128xf32>
    %add3A_132 = arith.addf %dot_general3A_96, %dot_general3A_112 : vector<2048x128xf32>
    %add3A_133 = arith.addf %add3A_129, %add3A_130 : vector<2048x128xf32>
    %add3A_134 = arith.addf %add3A_131, %add3A_132 : vector<2048x128xf32>
    %add3A_135 = arith.addf %add3A_133, %add3A_134 : vector<2048x128xf32>
    %add3A_136 = arith.addf %add3A_135, %dot_general3A_128 : vector<2048x128xf32>
    %swap3A = arith.constant 0 : index
    %swap3A_137 = arith.constant 0 : index
    %swap3A_138 = vector.load %arg20[%swap3A, %swap3A_137] : memref<2048x128xf32, #tpu.memory_space<vmem>>, vector<2048x128xf32>
    tpu.vector_store %arg20[%swap3A, %swap3A_137], %add3A_136 {strides = array<i32>} : memref<2048x128xf32, #tpu.memory_space<vmem>>, vector<2048x128xf32>,
    return
  }
  func.func @transform_0(%arg0: i32) -> (i32, i32) {
    %c0_i32 = arith.constant 0 : i32
    %c0_i32_0 = arith.constant 0 : i32
    return %arg0, %c0_i32 : i32, i32
  }
  func.func @transform_1(%arg0: i32) -> (i32, i32, i32) {
    %c0_i32 = arith.constant 0 : i32
    %c0_i32_0 = arith.constant 0 : i32
    %c0_i32_1 = arith.constant 0 : i32
    %c0_i32_2 = arith.constant 0 : i32
    return %c0_i32, %c0_i32_0, %c0_i32_1 : i32, i32, i32
  }
  func.func @transform_2(%arg0: i32) -> (i32, i32) {
    %c0_i32 = arith.constant 0 : i32
    %c0_i32_0 = arith.constant 0 : i32
    return %arg0, %c0_i32 : i32, i32
  }
  func.func @transform_3(%arg0: i32) -> i32 {
    %add3A = arith.constant 0 : i32
    %add3A_0 = arith.addi %add3A, %arg0 : i32
    %c0_i32 = arith.constant 0 : i32
    return %add3A_0 : i32
  }
  func.func @transform_4(%arg0: i32) -> i32 {
    %add3A = arith.constant 5 : i32
    %add3A_0 = arith.addi %add3A, %arg0 : i32
    %c0_i32 = arith.constant 0 : i32
    return %add3A_0 : i32
  }
  func.func @transform_5(%arg0: i32) -> i32 {
    %add3A = arith.constant 10 : i32
    %add3A_0 = arith.addi %add3A, %arg0 : i32
    %c0_i32 = arith.constant 0 : i32
    return %add3A_0 : i32
  }
  func.func @transform_6(%arg0: i32) -> i32 {
    %add3A = arith.constant 15 : i32
    %add3A_0 = arith.addi %add3A, %arg0 : i32
    %c0_i32 = arith.constant 0 : i32
    return %add3A_0 : i32
  }
  func.func @transform_7(%arg0: i32) -> i32 {
    %add3A = arith.constant 20 : i32
    %add3A_0 = arith.addi %add3A, %arg0 : i32
    %c0_i32 = arith.constant 0 : i32
    return %add3A_0 : i32
  }
  func.func @transform_8(%arg0: i32) -> i32 {
    %add3A = arith.constant 25 : i32
    %add3A_0 = arith.addi %add3A, %arg0 : i32
    %c0_i32 = arith.constant 0 : i32
    return %add3A_0 : i32
  }
  func.func @transform_9(%arg0: i32) -> i32 {
    %add3A = arith.constant 30 : i32
    %add3A_0 = arith.addi %add3A, %arg0 : i32
    %c0_i32 = arith.constant 0 : i32
    return %add3A_0 : i32
  }
  func.func @transform_10(%arg0: i32) -> i32 {
    %add3A = arith.constant 35 : i32
    %add3A_0 = arith.addi %add3A, %arg0 : i32
    %c0_i32 = arith.constant 0 : i32
    return %add3A_0 : i32
  }
  func.func @transform_11(%arg0: i32) -> i32 {
    %add3A = arith.constant 40 : i32
    %add3A_0 = arith.addi %add3A, %arg0 : i32
    %c0_i32 = arith.constant 0 : i32
    return %add3A_0 : i32
  }
  func.func @transform_12(%arg0: i32) -> i32 {
    %add3A = arith.constant 45 : i32
    %add3A_0 = arith.addi %add3A, %arg0 : i32
    %c0_i32 = arith.constant 0 : i32
    return %add3A_0 : i32
  }
  func.func @transform_13(%arg0: i32) -> i32 {
    %add3A = arith.constant 50 : i32
    %add3A_0 = arith.addi %add3A, %arg0 : i32
    %c0_i32 = arith.constant 0 : i32
    return %add3A_0 : i32
  }
  func.func @transform_14(%arg0: i32) -> i32 {
    %add3A = arith.constant 55 : i32
    %add3A_0 = arith.addi %add3A, %arg0 : i32
    %c0_i32 = arith.constant 0 : i32
    return %add3A_0 : i32
  }
  func.func @transform_15(%arg0: i32) -> i32 {
    %add3A = arith.constant 60 : i32
    %add3A_0 = arith.addi %add3A, %arg0 : i32
    %c0_i32 = arith.constant 0 : i32
    return %add3A_0 : i32
  }
  func.func @transform_16(%arg0: i32) -> i32 {
    %add3A = arith.constant 65 : i32
    %add3A_0 = arith.addi %add3A, %arg0 : i32
    %c0_i32 = arith.constant 0 : i32
    return %add3A_0 : i32
  }
  func.func @transform_17(%arg0: i32) -> i32 {
    %add3A = arith.constant 70 : i32
    %add3A_0 = arith.addi %add3A, %arg0 : i32
    %c0_i32 = arith.constant 0 : i32
    return %add3A_0 : i32
  }
  func.func @transform_18(%arg0: i32) -> i32 {
    %add3A = arith.constant 75 : i32
    %add3A_0 = arith.addi %add3A, %arg0 : i32
    %c0_i32 = arith.constant 0 : i32
    return %add3A_0 : i32
  }
  func.func @transform_19(%arg0: i32) -> (i32, i32) {
    %c0_i32 = arith.constant 0 : i32
    %c0_i32_0 = arith.constant 0 : i32
    return %arg0, %c0_i32 : i32, i32
  }
}

</mosaic_0001>

<sc_bundles>
// kernel: kernel.5.cloned.1.call-start
scs
__scs_entry_jumppad:
0x0: {  	(pc) =	sbr.rel $0x88, $3  }
0x1: {  	(tag) =	ssettag $0x0;
	lr =	simm.s32 $0x1  }
0x2: {  	[smem:$0x3F9B] =	sst lr;
	_ =	strace $0xD0000000  }
0x3: {  	_ = 	snop  }
0x4: {  	_ = 	snop  }
0x5: {  	_ = 	snop  }
0x6: {  	_ = 	snop  }
0x7: {  	_ = 	snop  }
__scs_overlays_trampoline_lowered:
0x8: {  	[smem:$0x3FAA] =	sst s0  }
0x9: {  	[smem:$0x3FAB] =	sst s1  }
0xa: {  	[smem:$0x3FAC] =	sst s2  }
0xb: {  	[smem:$0x3FAD] =	sst s3  }
0xc: {  	[smem:$0x3FAE] =	sst s4  }
0xd: {  	[smem:$0x3FAF] =	sst s5  }
0xe: {  	[smem:$0x3FB0] =	sst s6  }
0xf: {  	[smem:$0x3FB1] =	sst s7  }
0x10: {  	[smem:$0x3FB2] =	sst s8  }
0x11: {  	[smem:$0x3FB3] =	sst s9;
	s0 =	simm.s32 @!p0 $0x0  }
0x12: {  	s1 =	sld [smem:$0x3F99];
	s0 =	simm.s32 @p0 $0x1  }
0x13: {  	[smem:$0x3FB4] =	sst s0;
	s0 =	simm.s32 @!p1 $0x0  }
0x14: {  	s2 =	sld [smem:$0x3F98];
	s0 =	simm.s32 @p1 $0x1  }
0x15: {  	[smem:$0x3FB5] =	sst s0;
	s0 =	simm.s32 @!p2 $0x0  }
0x16: {  	s3 =	sld [smem:$0x3FDB];
	s0 =	simm.s32 @p2 $0x1  }
0x17: {  	s4 =	simm.s32 $0x1BF5;
	[smem:$0x3FB7] =	sst s0  }
0x18: {  	s0 =	sld [smem:$0x3F9A];
	_ =	swait.ge [sflag:s4], $0x0  }
0x19: {  	s7 =	sld [smem:$0x3F9B]  }
0x1a: {  	s8 =	sadd.s32 $0xFFFFE003, lr  }
0x1b: {  	s9 =	sadd.s32 $0xFFFFFEF7, lr;
	s5 =	simm.s32 $0xFFFFFFFF;
	p2 =	slt.u32 s8, $0xFFFFF086  }
0x1c: {  	p1 =	slt.u32 s9, $0xF7A;
	s5 =	simm.s32 @!p2 $0x0  }
0x1d: {  	s5 =	simm.s32 @p1 $0x1;
	p0 =	seq.s32 s7, s2  }
0x1e: {  	s7 =	smul.u32 @!p0 $0xF7A, s2;
	p2 =	seq.s32 @!p0 s5, $0x0  }
0x1f: {  	s9 =	smul.u32 $0xF7A, s1;
	s8 =	simm.s32 @!p0 $0x1BF5;
	p2 =	por !p2, p0  }
0x20: {  	[sflag:s8] =	ssyncset.s32 @!p0 $0xFFFFF086;
	s6 =	sadd.s32 @!p0 s3, s7;
	s7 =	simm.s32 @!p0 $0x108  }
0x21: {  	s3 =	sadd.s32 s3, s9;
	s6 =	sadd.s32 @!p0 $0x88, s6;
	s7 =	simm.s32 @p2 $0x1082  }
0x22: {  	[simem:s7], [sflag:s8] =	dma.local @!p0 [hbm:s6], $0xF7A  }
0x23: {  	s9 =	sor.u32 $0xD0000000, s2;
	s6 =	simm.s32 $0x108;
	_ =	swait.ge @!p0 [sflag:s8], $0x0  }
0x24: {  	s3 =	sadd.s32 $0x88, s3;
	s6 =	simm.s32 @!p1 $0x1082;
	[sflag:s4] =	ssyncset.s32 $0xFFFFF086  }
0x25: {  	[simem:s6], [sflag:s4] =	dma.local [hbm:s3], $0xF7A  }
0x26: {  	[smem:$0x3F9B] =	sst s1;
	(tag) =	ssettag s2;
	_ =	strace s9  }
0x27: {  	s1 =	sld [smem:$0x3FAB]  }
0x28: {  	s2 =	sld [smem:$0x3FAC]  }
0x29: {  	s4 =	sld [smem:$0x3FAE]  }
0x2a: {  	p0 =	seq.s32 s5, $0x0;
	s5 =	sld [smem:$0x3FAF]  }
0x2b: {  	s6 =	sld [smem:$0x3FB0]  }
0x2c: {  	s7 =	sld [smem:$0x3FB1]  }
0x2d: {  	s3 =	simm.s32 $0x108;
	s8 =	sld [smem:$0x3FB2]  }
0x2e: {  	s3 =	simm.s32 @!p0 $0x1082;
	s9 =	sld [smem:$0x3FB3]  }
0x2f: {  	lr =	sadd.s32 s0, s3;
	s0 =	sld [smem:$0x3FAA]  }
0x30: {  	s3 =	sld [smem:$0x3FAD]  }
0x31: {  	[smem:$0x3FB6] =	sst s10  }
0x32: {  	s10 =	sld [smem:$0x3FB4];
	_ =	sdelay $0x3  }
0x33: {  	p0 =	seq.s32 s10, $0x1;
	s10 =	sld [smem:$0x3FB6];
	_ =	sdelay $0x3  }
0x34: {  	[smem:$0x3FB6] =	sst s10  }
0x35: {  	s10 =	sld [smem:$0x3FB5];
	_ =	sdelay $0x3  }
0x36: {  	p1 =	seq.s32 s10, $0x1;
	s10 =	sld [smem:$0x3FB6];
	_ =	sdelay $0x3  }
0x37: {  	[smem:$0x3FB6] =	sst s10  }
0x38: {  	s10 =	sld [smem:$0x3FB7]  }
0x39: {  	_ = 	snop;
	(pc) =	sbr.ind lr, $3  }
0x3a: {  	_ = 	snop  }
0x3b: {  	_ = 	snop  }
0x3c: {  	p2 =	seq.s32 s10, $0x1;
	s10 =	sld [smem:$0x3FB6]  }
0x3d: {  	_ =	shalt  }
0x3e: {  	_ =	shalt  }
0x3f: {  	_ =	shalt  }
0x40: {  	_ =	shalt  }
0x41: {  	_ =	shalt  }
0x42: {  	_ =	shalt  }
0x43: {  	_ =	shalt  }
0x44: {  	_ =	shalt  }
0x45: {  	_ =	shalt  }
0x46: {  	_ =	shalt  }
0x47: {  	_ =	shalt  }
0x48: {  	_ =	shalt  }
0x49: {  	_ =	shalt  }
0x4a: {  	_ =	shalt  }
0x4b: {  	_ =	shalt  }
0x4c: {  	_ =	shalt  }
0x4d: {  	_ =	shalt  }
0x4e: {  	_ =	shalt  }
0x4f: {  	_ =	shalt  }
0x50: {  	_ =	shalt  }
0x51: {  	_ =	shalt  }
0x52: {  	_ =	shalt  }
0x53: {  	_ =	shalt  }
0x54: {  	_ =	shalt  }
0x55: {  	_ =	shalt  }
0x56: {  	_ =	shalt  }
0x57: {  	_ =	shalt  }
0x58: {  	_ =	shalt  }
0x59: {  	_ =	shalt  }
0x5a: {  	_ =	shalt  }
0x5b: {  	_ =	shalt  }
0x5c: {  	_ =	shalt  }
0x5d: {  	_ =	shalt  }
0x5e: {  	_ =	shalt  }
0x5f: {  	_ =	shalt  }
0x60: {  	_ =	shalt  }
0x61: {  	_ =	shalt  }
0x62: {  	_ =	shalt  }
0x63: {  	_ =	shalt  }
0x64: {  	_ =	shalt  }
0x65: {  	_ =	shalt  }
0x66: {  	_ =	shalt  }
0x67: {  	_ =	shalt  }
0x68: {  	_ =	shalt  }
0x69: {  	_ =	shalt  }
0x6a: {  	_ =	shalt  }
0x6b: {  	_ =	shalt  }
0x6c: {  	_ =	shalt  }
0x6d: {  	_ =	shalt  }
0x6e: {  	_ =	shalt  }
0x6f: {  	_ =	shalt  }
0x70: {  	_ =	shalt  }
0x71: {  	_ =	shalt  }
0x72: {  	_ =	shalt  }
0x73: {  	_ =	shalt  }
0x74: {  	_ =	shalt  }
0x75: {  	_ =	shalt  }
0x76: {  	_ =	shalt  }
0x77: {  	_ =	shalt  }
0x78: {  	_ =	shalt  }
0x79: {  	_ =	shalt  }
0x7a: {  	_ =	shalt  }
0x7b: {  	_ =	shalt  }
0x7c: {  	_ =	shalt  }
0x7d: {  	_ =	shalt  }
0x7e: {  	_ =	shalt  }
0x7f: {  	_ =	shalt  }
0x80: {  	_ =	shalt  }
0x81: {  	_ =	shalt  }
0x82: {  	_ =	shalt  }
0x83: {  	_ =	shalt  }
0x84: {  	_ =	shalt  }
0x85: {  	_ =	shalt  }
0x86: {  	_ =	shalt  }
0x87: {  	_ =	shalt  }
.Lfunc_end0:
.L_simem_size_0:
called_computation_lowered:
.L_overlay_start_0:
0x88: {  	s2 =	sld [smem:$0x3FD9]  }
0x89: {  	s3 =	sld [smem:$0x3FFE];
	_ =	sdelay $0x1  }
0x8a: {  	s1 =	srdreg.scid  }
0x8b: {  	s0 =	sand.u32 $0x1, s1  }
0x8c: {  	s17 =	sshll.u32 s0, $0xA;
	s2 =	sadd.s32 s3, s2  }
0x8d: {  	s2 =	sadd.s32 s2, s17  }
0x8e: {  	[smem:$0x3FC2] =	sst s2  }
0x8f: {  	_ = 	snop  }
0x90: {  	s2 =	sld [smem:$0x3FD0];
	(tm) =	ssettm $0x1  }
0x91: {  	s18 =	sld [smem:$0x3FFB];
	_ =	sdelay $0x3  }
0x92: {  	_ =	strace s18  }
0x93: {  	s3 =	sld [smem:$0x3FFC];
	_ =	sdelay $0x3  }
0x94: {  	_ =	strace s3  }
0x95: {  	s3 =	sld [smem:$0x3FFD];
	_ =	sdelay $0x3  }
0x96: {  	_ =	strace s3  }
0x97: {  	_ =	strace $0x8FFFFFFF  }
0x98: {  	s19 =	sld [smem:$0x3FDB];
	_ =	sdelay $0x1  }
0x99: {  	s4 =	simm.s32 $_scs_section_size  }
0x9a: {  	s5 =	simm.s32 $_size__tile_overlayer_lowered;
	s6 =	simm.s32 $_tile_overlayer_lowered  }
0x9b: {  	s22 =	simm.s32 $0x1BFF;
	s21 =	sshll.u32 s6, $0x1;
	s3 =	sadd.s32 s4, s19  }
0x9c: {  	s7 =	simm.s32 $0x0;
	s20 =	sshll.u32 s5, $0x1;
	s5 =	sadd.s32 s21, s3  }
0x9d: {  	[timem:s7], [sflag:s22] =	dma.local [hbm:s5], s20  }
0x9e: {  	_ =	swait.ge [sflag:s22], s20  }
0x9f: {  	s4 =	ssub.s32 $0x0, s20;
	[sflag:s22] =	ssyncset.done $0x0  }
0xa0: {  	[sflag:s22] =	ssyncadd.s32 s4;
	_ =	sdelay $0x1  }
0xa1: {  	s23 =	simm.s32 $0x1B8B  }
0xa2: {  	_ =	swait.ge [sflag:s23], $0x1  }
0xa3: {  	[sflag:s23] =	ssyncset.done $0x0  }
0xa4: {  	s25 =	simm.s32 $0x1B8E;
	s24 =	sld [smem:$0x3FFE];
	[sflag:s23] =	ssyncadd.s32 $0xFFFFFFFF  }
0xa5: {  	s26 =	simm.s32 $execute0_lowered;
	[smem:$0x3FD2] =	sst s25  }
0xa6: {  	s5 =	sshll.u32 s26, $0x1;
	_ =	strace $0x80000046;
	[dreg:$0x1] =	wrdreg $0xFFFFFFFF  }
0xa7: {  	s28 =	simm.s32 $_size_execute0_lowered;
	s3 =	sadd.s32 s3, s5;
	[dreg:$0x0] =	wrdreg $0x0  }
0xa8: {  	s5 =	sshll.u32 s28, $0x1;
	[dreg:$0x2] =	wrdreg s3  }
0xa9: {  	[dreg:$0x3] =	wrdreg s5  }
0xaa: {  	[dreg:$0x4] =	wrdreg $0xC0  }
0xab: {  	_ =	task [dreg:s7], $0x5FFFF  }
0xac: {  	[dreg:$0x1] =	wrdreg $0xFFFFFFFF  }
0xad: {  	[dreg:$0x0] =	wrdreg $0x60  }
0xae: {  	[dreg:$0x2] =	wrdreg s2  }
0xaf: {  	[dreg:$0x3] =	wrdreg s24  }
0xb0: {  	[dreg:$0x4] =	wrdreg $0x50000  }
0xb1: {  	[dreg:$0x5] =	wrdreg $0x9  }
0xb2: {  	_ =	task.clear_ibuf [dreg:s7], $0x6FFFF;
	_ =	strace $0x90000046  }
0xb3: {  	s29 =	simm.s32 $0x9;
	_ =	strace $0x80000048  }
0xb4: {  	_ =	swait.ge [sflag:s29], $0x1  }
0xb5: {  	[sflag:s29] =	ssyncadd.s32 $0xFFFFFFFF  }
0xb6: {  	_ =	strace $0x90000048  }
0xb7: {  	_ =	sfence  }
0xb8: {  	s30 =	sld [smem:$0x0];
	_ =	sdelay $0x2  }
0xb9: {  	s31 =	sshll.u32 s1, $0xD;
	s1 =	sshrl.u32 s1, $0x2  }
0xba: {  	s3 =	sand.u32 $0x4000, s31;
	s1 =	sadd.s32 s1, s30  }
0xbb: {  	s0 =	sor.u32 s3, s0;
	s1 =	sshll.u32 s1, $0x11  }
0xbc: {  	s0 =	sor.u32 s1, s0  }
0xbd: {  	s0 =	sadd.s32 $0x8F2B, s0  }
0xbe: {  	[sflag:s0] =	ssyncadd.remote.s32 $0x1  }
0xbf: {  	_ =	sfence.sel $0xFFFF  }
0xc0: {  	[dreg:$0x0] =	wrdreg $0xFFFFFFFF;
	(pc) =	sbr.abs _section_cstart, $3  }
0xc1: {  	[dreg:$0x1] =	wrdreg $0xFFFFFFFF  }
0xc2: {  	_ =	task.clear_ibuf [dreg:s7], $0x2FFFF;
	_ =	strace $0x9FFFFFFF  }
0xc3: {  	(tm) =	ssettm $0x7FFFFFFF  }
tec
execute0_lowered:
.L_overlay_start_1:
0x0: {  	(tag) =	ssettag $0x1  }
0x1: {  	s4 =	rddreg [dreg:$0x0]  }
0x2: {  	s5 =	rddreg [dreg:$0x1]  }
0x3: {  	s2 =	rddreg [dreg:$0x2]  }
0x4: {  	s0 =	rddreg [dreg:$0x3];
	s1 =	stileid.u32;
	s3 =	simm.s32 $0x0  }
0x5: {  	s6 =	srdreg.scid;
	s12 =	simm.s32 $0x3C00;
	s13 =	simm.s32 $0x1  }
0x6: {  	s14 =	simm.s32 $0x80;
	s17 =	simm.s32 $0x2;
	s18 =	simm.s32 $0x0  }
0x7: {  	s7 =	smul.u32 $0x1400, s1;
	[smem:$0x7FF] =	sst s3;
	s6 =	sand.u32 $0x1, s6  }
0x8: {  	s15 =	sshll.u32 s1, $0x6;
	p0 =	seq.s32 s6, $0x0;
	s9 =	smul.u32 $0x14000, s6  }
0x9: {  	_ =	strace $0x80000047;
	s6 =	ssub.s32 $0x2, s6;
	s8 =	sadd.s32 $0x14000, s7  }
0xa: {  	s15 =	sor.u32 $0x1C02, s15;
	s11 =	sshrl.u32 s6, $0x1;
	s8 =	smov.u32 @p0 s7  }
0xb: {  	s9 =	sadd.s32 s7, s9;
	s11 =	ssub.s32 s6, s11;
	s7 =	sadd.s32 s7, s2  }
0xc: {  	s8 =	sshrl.u32 s8, $0x3;
	s9 =	sshrl.u32 s9, $0x3;
	s16 =	sshrl.u32 s7, $0x3  }
0xd: {  	s10 =	sadd.s32 s8, s5;
	s9 =	sadd.s32 s9, s5;
	s4 =	sadd.s32 s4, s8  }
0xe: {  	s5 =	sadd.s32 $0x1600, s10;
	s6 =	sadd.s32 $0x6600, s10;
	s8 =	sadd.s32 $0xB600, s9  }
0xf: {  	v0 =	vimm.f32 $0.0e+00;
	s9 =	smax.u32 s11, $0x1;
	s10 =	simm.s32 $0x1400;
	s11 =	simm.s32 $0x2800  }
.LBB2_1:
0x10: {  	[tilespmem:s3], [sflag:$0x1] =	stream.linear.gather [hbm4b:s4+s3], $0x1400, $0x38;
	[tilespmem:$0x6400] =	vst v63  }
0x11: {  	_ = 	snop  }
0x12: {  	[tilespmem:s10], [sflag:$0x1] =	stream.linear.gather [hbm4b:s5+s3], $0x1400, $0x38;
	[tilespmem:$0x6400] =	vst v63  }
0x13: {  	s19 =	simm.s32 $0x40;
	s20 =	simm.s32 $0x0  }
0x14: {  	[tilespmem:s11], [sflag:$0x1] =	stream.linear.gather [hbm4b:s6+s3], $0x1400, $0x38;
	[tilespmem:$0x6400] =	vst v63  }
.LBB2_2:
0x15: {  	p0 =	sne.s32 s19, $0x4FC0;
	[tilespmem:s20+$0x3C00] =	vst v0;
	s20 =	smov.u32 s19;
	s19 =	sadd.s32 $0x40, s19  }
.Ltmp0:
0x16: {  	(pc) =	sbr.rel @p0 .LBB2_2-.Ltmp0, $2  }
0x17: {  	_ =	sdelay $0x2  }
0x18: {  	s20 =	sshra.s32 s20, $0x2  }
0x19: {  	[tilespmem:s20+$0x3C00] =	vst v0  }
0x1a: {  	[spmem:s7] =	stream.linear.scatter [tilespmem:s12], [sflag:$0x1], $0x1400, $0x38;
	[tilespmem:$0x6400] =	vst v63  }
0x1b: {  	_ =	swait.ge [sflag:s13], $0x1400  }
0x1c: {  	[sflag:s13] =	ssyncset.done $0x0  }
0x1d: {  	[sflag:s13] =	ssyncadd.s32 $0xFFFFEC00  }
0x1e: {  	_ =	swait.ge [sflag:s13], $0x1400  }
0x1f: {  	[sflag:s13] =	ssyncset.done $0x0  }
0x20: {  	s19 =	simm.s32 $0x0;
	[sflag:s13] =	ssyncadd.s32 $0xFFFFEC00  }
0x21: {  	v6 =	vld [tilespmem:s19+$0x0]  }
0x22: {  	v5 =	vld [tilespmem:s19+$0x10]  }
0x23: {  	v4 =	vld [tilespmem:s19+$0x20]  }
0x24: {  	v3 =	vld [tilespmem:s19+$0x30]  }
0x25: {  	v2 =	vld [tilespmem:s19+$0x40]  }
0x26: {  	v1 =	vld [tilespmem:s19+$0x50]  }
0x27: {  	v7 =	vld [tilespmem:s19+$0x1400]  }
0x28: {  	v12 =	vld [tilespmem:s19+$0x1410]  }
0x29: {  	v11 =	vld [tilespmem:s19+$0x1420]  }
0x2a: {  	v10 =	vld [tilespmem:s19+$0x1430]  }
0x2b: {  	v9 =	vld [tilespmem:s19+$0x1440]  }
0x2c: {  	v8 =	vld [tilespmem:s19+$0x1450];
	v13 =	vmul.u32 $0x2800, v7  }
0x2d: {  	s20 =	simm.s32 $0x200;
	v12 =	vmul.u32 $0x2800, v12;
	v7 =	vld [tilespmem:s19+$0x1460]  }
.LBB2_4:
0x2e: {  	p0 =	sne.s32 s20, $0x4E00;
	v6 =	vadd.s32 v6, v13;
	v11 =	vmul.u32 $0x2800, v11;
	v13 =	vld [tilespmem:s19+$0x1470]  }
0x2f: {  	[tilespmem:s19+$0x1400] =	vst v6;
	v5 =	vadd.s32 v5, v12;
	v10 =	vmul.u32 $0x2800, v10;
	v12 =	vld [tilespmem:s19+$0x60]  }
0x30: {  	s21 =	sshra.s32 s20, $0x2;
	[tilespmem:s19+$0x1410] =	vst v5;
	v4 =	vadd.s32 v4, v11;
	v9 =	vmul.u32 $0x2800, v9;
	v11 =	vld [tilespmem:s19+$0x70]  }
0x31: {  	v6 =	vld [tilespmem:s21+$0x0];
	[tilespmem:s19+$0x1420] =	vst v4;
	v3 =	vadd.s32 v3, v10;
	v8 =	vmul.u32 $0x2800, v8  }
0x32: {  	v5 =	vld [tilespmem:s21+$0x10];
	[tilespmem:s19+$0x1430] =	vst v3;
	v2 =	vadd.s32 v2, v9;
	v7 =	vmul.u32 $0x2800, v7  }
0x33: {  	v4 =	vld [tilespmem:s21+$0x20];
	[tilespmem:s19+$0x1440] =	vst v2;
	v1 =	vadd.s32 v1, v8;
	v8 =	vmul.u32 $0x2800, v13  }
0x34: {  	v3 =	vld [tilespmem:s21+$0x30];
	[tilespmem:s19+$0x1450] =	vst v1;
	v1 =	vadd.s32 v12, v7  }
0x35: {  	v2 =	vld [tilespmem:s21+$0x40];
	[tilespmem:s19+$0x1460] =	vst v1;
	v7 =	vadd.s32 v11, v8  }
0x36: {  	v1 =	vld [tilespmem:s21+$0x50];
	[tilespmem:s19+$0x1470] =	vst v7;
	s19 =	smov.u32 s21  }
0x37: {  	v7 =	vld [tilespmem:s19+$0x1400]  }
0x38: {  	v12 =	vld [tilespmem:s19+$0x1410]  }
.Ltmp1:
0x39: {  	v11 =	vld [tilespmem:s19+$0x1420];
	(pc) =	sbr.rel @p0 .LBB2_4-.Ltmp1, $4  }
0x3a: {  	v10 =	vld [tilespmem:s19+$0x1430]  }
0x3b: {  	v9 =	vld [tilespmem:s19+$0x1440]  }
0x3c: {  	v13 =	vmul.u32 $0x2800, v7;
	v8 =	vld [tilespmem:s19+$0x1450]  }
0x3d: {  	s20 =	sadd.s32 $0x200, s20;
	v12 =	vmul.u32 $0x2800, v12;
	v7 =	vld [tilespmem:s19+$0x1460]  }
0x3e: {  	v6 =	vadd.s32 v6, v13;
	v58 =	vld [tilespmem:s19+$0x1470];
	v59 =	vmul.u32 $0x2800, v11  }
0x3f: {  	v60 =	vld [tilespmem:s19+$0x60];
	[tilespmem:s19+$0x1400] =	vst v6;
	v5 =	vadd.s32 v5, v12;
	v10 =	vmul.u32 $0x2800, v10  }
0x40: {  	v62 =	vld [tilespmem:s19+$0x70];
	[tilespmem:s19+$0x1410] =	vst v5;
	v4 =	vadd.s32 v4, v59;
	v61 =	vmul.u32 $0x2800, v9  }
0x41: {  	[tilespmem:s19+$0x1420] =	vst v4;
	v3 =	vadd.s32 v3, v10;
	v63 =	vmul.u32 $0x2800, v8  }
0x42: {  	[tilespmem:s19+$0x1430] =	vst v3;
	v2 =	vadd.s32 v2, v61;
	v3 =	vmul.u32 $0x2800, v7  }
0x43: {  	[tilespmem:s19+$0x1440] =	vst v2;
	v1 =	vadd.s32 v1, v63;
	v2 =	vmul.u32 $0x2800, v58  }
0x44: {  	[tilespmem:s19+$0x1450] =	vst v1;
	v1 =	vadd.s32 v60, v3  }
0x45: {  	[tilespmem:s19+$0x1460] =	vst v1;
	v1 =	vadd.s32 v62, v2  }
0x46: {  	[tilespmem:s19+$0x1470] =	vst v1  }
0x47: {  	_ =	swait.ge [sflag:s13], $0x1400  }
0x48: {  	[sflag:s13] =	ssyncset.done $0x0  }
0x49: {  	[sflag:s13] =	ssyncadd.s32 $0xFFFFEC00  }
0x4a: {  	_ =	swait.ge [sflag:s13], $0x1400  }
0x4b: {  	[sflag:s13] =	ssyncset.done $0x0  }
0x4c: {  	[sflag:s13] =	ssyncadd.s32 $0xFFFFEC00  }
0x4d: {  	s19 =	simm.s32 $0x0;
	[bflag:$0x0] =	sbarrier.arrive $0xFFFF  }
.LBB2_6:
0x4e: {  	p0 =	sne.s32 s19, $0x4E00  }
.Ltmp2:
0x4f: {  	_ = 	snop;
	(pc) =	sbr.rel @p0 .LBB2_6-.Ltmp2, $4  }
0x50: {  	_ = 	snop  }
0x51: {  	s20 =	sshra.s32 s19, $0x2  }
0x52: {  	s19 =	sadd.s32 $0x200, s19;
	s21 =	sadd.s32 $0x2800, s20;
	s20 =	sadd.s32 $0x1400, s20  }
0x53: {  	[spmem:s2] =	stream.indirect.scatter.add.f32 [tilespmem:s21], [sflag:$0x1], $0x1, s20, s14, $0xb8;
	[tilespmem:$0x6400] =	vst v63  }
0x54: {  	_ =	swait.ge [sflag:s13], $0x80  }
0x55: {  	s19 =	simm.s32 $0x27;
	[sflag:s13] =	ssyncset.done $0x0  }
.LBB2_8:
0x56: {  	p0 =	sne.s32 s19, $0x1;
	s19 =	sadd.s32 $0xFFFFFFFF, s19;
	[sflag:s13] =	ssyncadd.s32 $0xFFFFFF80  }
.Ltmp3:
0x57: {  	(pc) =	sbr.rel @p0 .LBB2_8-.Ltmp3, $3  }
0x58: {  	_ =	sdelay $0x1  }
0x59: {  	_ =	swait.ge [sflag:s13], $0x80  }
0x5a: {  	[sflag:s13] =	ssyncset.done $0x0  }
0x5b: {  	s18 =	sadd.s32 $0x1, s18  }
0x5c: {  	[sflag:s13] =	ssyncadd.s32 $0xFFFFFF80;
	p0 =	sne.s32 s18, s9  }
.Ltmp4:
0x5d: {  	[bflag:$0x0] =	sbarrier.arrive $0xFFFF;
	(pc) =	sbr.rel @p0 .LBB2_1-.Ltmp4, $4  }
0x5e: {  	[hbm:s8], [sflag:s15] =	dma.local [spmem:s16], $0x280  }
0x5f: {  	_ =	swait.ge [sflag:s17], $0x280  }
0x60: {  	[sflag:s17] =	ssyncset.done $0x0  }
0x61: {  	[sflag:s17] =	ssyncadd.s32 $0xFFFFFD80  }
0x62: {  	_ =	sfence.sel $0x180000  }
0x63: {  	[bflag:$0x0] =	sbarrier.arrive $0xFFFF  }
0x64: {  	p0 =	sne.s32 s1, $0x0;
	_ =	strace $0x90000047  }
0x65: {  	s0 =	sadd.s32 @!p0 $0x100000, s0;
	[bflag:$0x2] =	sbarrier.arrive $0xFFFF  }
0x66: {  	[sflag:s0] =	ssyncadd.tile.s32 @!p0 $0x1;
	_ =	shalt  }
.Lfunc_end2:
_tile_overlayer_lowered:
.L_overlay_start_2:
0x67: {  	(tag) =	ssettag $0x2  }
0x68: {  	s0 =	rddreg [dreg:$0x0];
	s2 =	stileid.u32  }
0x69: {  	s1 =	rddreg [dreg:$0x1];
	p0 =	sne.s32 s2, $0x0  }
0x6a: {  	s3 =	rddreg [dreg:$0x2];
	[bflag:$0x3] =	sbarrier.arrive $0xFFFF;
	s2 =	simm.s32 @!p0 $0x1C02  }
0x6b: {  	[timem:s3], [sflag:s2] =	dma.local @!p0 [hbm:s0], s1  }
0x6c: {  	s0 =	simm.s32 @!p0 $0x2  }
0x6d: {  	_ =	swait.ge @!p0 [sflag:s0], s1  }
0x6e: {  	s1 =	ssub.s32 @!p0 $0x0, s1;
	[sflag:s0] =	ssyncset.done @!p0 $0x0  }
0x6f: {  	[sflag:s0] =	ssyncadd.s32 @!p0 s1  }
0x70: {  	[bflag:$0x3] =	sbarrier.arrive $0xFFFF  }
0x71: {  	_ =	shalt  }

</sc_bundles>
